<compile_context>
chip_gen: v7x
topology: tpu7x:2x2x1
jax: 0.10.2.dev20260603
libtpu: 0.0.44.dev20260713+nightly
codegen_flags: <defaults>
</compile_context>

<pallas_src>
import jax
import jax.numpy as jnp
from jax import lax
from jax.experimental import pallas as pl
from jax.experimental.pallas import tpu as pltpu
from jax.experimental.pallas import tpu_sc as plsc

N_ROWS = 16384
N_FIELDS = 26
FIELD_N = 100
ROW_W = N_FIELDS * FIELD_N
NC, NS = 2, 16
NW = NC * NS
ROWS_PER_W = N_ROWS // NW
BC = 200
BR = 128
SGS = ROW_W // BC
RTS = ROWS_PER_W // BR
CHUNKS = SGS * RTS
XW = ROWS_PER_W * N_FIELDS


NBUF = 2


def _body(x_hbm, out_hbm, xbuf, buf, sem0, sem1):
    wid = lax.axis_index("c") * NS + lax.axis_index("s")
    lanes = lax.iota(jnp.int32, 16)
    ones = jnp.full((16,), 1, jnp.int32)
    zeros = jnp.zeros((16,), jnp.int32)
    sems = (sem0, sem1)

    xcopies = [
        pltpu.async_copy(
            x_hbm.at[:, pl.ds((rt * NW + wid) * BR, BR)],
            xbuf.at[:, pl.ds(rt * BR, BR)],
            sem0)
        for rt in range(RTS)
    ]
    for b in range(NBUF):
        def zero_body(k, carry, b=b):
            buf[b, k >> 3, pl.ds((k & 7) * 16, 16)] = zeros
            return carry

        lax.fori_loop(0, BC * BR // 16, zero_body, 0)
    for c in xcopies:
        c.wait()

    def scatter(c, b, val):
        sg = c >> 2
        rt = c & 3
        bsplat = jnp.full((16,), b, jnp.int32)
        for ii in range(2):
            fvec = jnp.full((16,), 2 * sg + ii, jnp.int32)
            for g in range(8):
                rloc = rt * BR + g * 16 + lanes
                xv = plsc.load_gather(xbuf, [fvec, rloc])
                plsc.store_scatter(
                    buf, [bsplat, ii * FIELD_N + xv, g * 16 + lanes], val)

    def start_stream(c, b):
        sg = c >> 2
        rt = c & 3
        pltpu.async_copy(
            buf.at[b],
            out_hbm.at[pl.ds(sg * BC, BC), pl.ds((rt * NW + wid) * BR, BR)],
            sems[b])

    def wait_stream(b):
        pltpu.make_async_copy(
            buf.at[b],
            out_hbm.at[pl.ds(0, BC), pl.ds(0, BR)],
            sems[b]).wait()

    for b in range(NBUF):
        scatter(jnp.int32(b), b, ones)
        start_stream(jnp.int32(b), b)

    def loop_body(it, carry):
        for b in range(NBUF):
            c = it * NBUF + b
            wait_stream(b)
            scatter(c - NBUF, b, zeros)
            scatter(c, b, ones)
            start_stream(c, b)
        return carry

    lax.fori_loop(1, CHUNKS // NBUF, loop_body, 0)

    for b in range(NBUF):
        wait_stream(b)


@jax.jit
def _run(xt):
    mesh = plsc.VectorSubcoreMesh(core_axis_name="c", subcore_axis_name="s")
    f = pl.kernel(
        _body,
        out_type=jax.ShapeDtypeStruct((ROW_W, N_ROWS), jnp.int32),
        mesh=mesh,
        scratch_types=[
            pltpu.VMEM((N_FIELDS, ROWS_PER_W), jnp.int32),
            pltpu.VMEM((NBUF, BC, BR), jnp.int32),
            pltpu.SemaphoreType.DMA,
            pltpu.SemaphoreType.DMA,
        ],
        compiler_params=pltpu.CompilerParams(needs_layout_passes=False),
    )
    return f(xt)


def kernel(x):
    return jnp.transpose(_run(jnp.transpose(x)))

# --- scband reference (transcript-rebuilt; emitter-appended) ---
"""Pipeline reference for scband-multi-discrete-design-embedding-6098853560361 (READ-ONLY COPY).

The authoritative reference and input builder live on the scoring server;
editing this copy changes nothing except your own understanding.
"""

import jax, jax.numpy as jnp
import numpy as np

NVEC = [100] * 26


def setup_inputs(seed: int = 0) -> dict:
    key = jax.random.key(seed)
    x = jax.random.randint(key, (16384, 26), 0, 100, dtype=jnp.int32)
    return {"x": x}


def reference(x):
    # design = x.long(); one_hot per field; concat along dim=1
    design = x.astype(jnp.int32)
    parts = [jax.nn.one_hot(design[:, i], n, dtype=jnp.int32) for i, n in enumerate(NVEC)]
    return jnp.concatenate(parts, axis=1)

if __name__ == "__main__":
    import jax
    _d = setup_inputs()
    print(jax.jit(kernel)(*tuple(_d.values())))

</pallas_src>

<mosaic_0001>
#map = affine_map<(d0, d1) -> (0, 0)>
module attributes {stable_mosaic.version = 14 : i64} {
  func.func @_body(%arg0: i32, %arg1: i32, %arg2: memref<26x16384xi32, #tpu.memory_space<hbm>>, %arg3: memref<2600x16384xi32, #tpu.memory_space<hbm>>, %arg4: memref<26x512xi32, #tpu.memory_space<vmem>>, %arg5: memref<2x200x128xi32, #tpu.memory_space<vmem>>, %arg6: memref<!tpu.dma_semaphore, #tpu.memory_space<semaphore_mem>>, %arg7: memref<!tpu.dma_semaphore, #tpu.memory_space<semaphore_mem>>) attributes {dimension_semantics = [#tpu.dimension_semantics<core_parallel>, #tpu.dimension_semantics<subcore_parallel>], iteration_bounds = array<i64: 2, 16>, scalar_prefetch = 0 : i64, scratch_operands = 4 : i64, tpu.core_type = #tpu.core_type<sc_vector_subcore>, window_params = [{transform_indices = #map}, {transform_indices = #map}]} {
    %mul3A = arith.constant 16 : i32
    %mul3A_0 = arith.muli %arg0, %mul3A : i32
    %add3A = arith.addi %mul3A_0, %arg1 : i32
    %iota3A = tpu.iota {dimensions = array<i32: 0>} : vector<16xi32>
    %broadcast_in_dim3A = arith.constant 1 : i32
    %broadcast_in_dim3A_1 = vector.broadcast %broadcast_in_dim3A : i32 to vector<16xi32>
    %broadcast_in_dim3A_2 = arith.constant 0 : i32
    %broadcast_in_dim3A_3 = vector.broadcast %broadcast_in_dim3A_2 : i32 to vector<16xi32>
    %add3A_4 = arith.constant 0 : i32
    %add3A_5 = arith.addi %add3A_4, %add3A : i32
    %mul3A_6 = arith.constant 128 : i32
    %mul3A_7 = arith.muli %add3A_5, %mul3A_6 : i32
    %dma_start3A = arith.constant 0 : i32
    %dma_start3A_8 = arith.constant 0 : i32
    %dma_start3A_9 = tpu.memref_slice %arg4[%dma_start3A, %dma_start3A_8] : memref<26x512xi32, #tpu.memory_space<vmem>> -> memref<26x128xi32, #tpu.memory_space<vmem>>
    %dma_start3A_10 = arith.constant 0 : i32
    %dma_start3A_11 = tpu.memref_slice %arg2[%dma_start3A_10, %mul3A_7] : memref<26x16384xi32, #tpu.memory_space<hbm>> -> memref<26x128xi32, #tpu.memory_space<hbm>>
    %dma_start3A_12 = arith.constant 0 : i32
    %dma_start3A_13 = arith.constant 0 : i32
    %dma_start3A_14 = tpu.memref_slice %arg4[%dma_start3A_12, %dma_start3A_13] : memref<26x512xi32, #tpu.memory_space<vmem>> -> memref<26x128xi32, #tpu.memory_space<vmem>>
    %dma_start3A_15 = arith.constant 0 : i32
    %dma_start3A_16 = tpu.memref_slice %arg2[%dma_start3A_15, %mul3A_7] : memref<26x16384xi32, #tpu.memory_space<hbm>> -> memref<26x128xi32, #tpu.memory_space<hbm>>
    tpu.enqueue_dma source(%dma_start3A_16 : memref<26x128xi32, #tpu.memory_space<hbm>>) target(%dma_start3A_14 : memref<26x128xi32, #tpu.memory_space<vmem>>) target_semaphore(%arg6 : memref<!tpu.dma_semaphore, #tpu.memory_space<semaphore_mem>>)
    %add3A_17 = arith.constant 32 : i32
    %add3A_18 = arith.addi %add3A_17, %add3A : i32
    %mul3A_19 = arith.constant 128 : i32
    %mul3A_20 = arith.muli %add3A_18, %mul3A_19 : i32
    %dma_start3A_21 = arith.constant 0 : i32
    %dma_start3A_22 = arith.constant 128 : i32
    %dma_start3A_23 = tpu.memref_slice %arg4[%dma_start3A_21, %dma_start3A_22] : memref<26x512xi32, #tpu.memory_space<vmem>> -> memref<26x128xi32, #tpu.memory_space<vmem>>
    %dma_start3A_24 = arith.constant 0 : i32
    %dma_start3A_25 = tpu.memref_slice %arg2[%dma_start3A_24, %mul3A_20] : memref<26x16384xi32, #tpu.memory_space<hbm>> -> memref<26x128xi32, #tpu.memory_space<hbm>>
    %dma_start3A_26 = arith.constant 0 : i32
    %dma_start3A_27 = arith.constant 128 : i32
    %dma_start3A_28 = tpu.memref_slice %arg4[%dma_start3A_26, %dma_start3A_27] : memref<26x512xi32, #tpu.memory_space<vmem>> -> memref<26x128xi32, #tpu.memory_space<vmem>>
    %dma_start3A_29 = arith.constant 0 : i32
    %dma_start3A_30 = tpu.memref_slice %arg2[%dma_start3A_29, %mul3A_20] : memref<26x16384xi32, #tpu.memory_space<hbm>> -> memref<26x128xi32, #tpu.memory_space<hbm>>
    tpu.enqueue_dma source(%dma_start3A_30 : memref<26x128xi32, #tpu.memory_space<hbm>>) target(%dma_start3A_28 : memref<26x128xi32, #tpu.memory_space<vmem>>) target_semaphore(%arg6 : memref<!tpu.dma_semaphore, #tpu.memory_space<semaphore_mem>>)
    %add3A_31 = arith.constant 64 : i32
    %add3A_32 = arith.addi %add3A_31, %add3A : i32
    %mul3A_33 = arith.constant 128 : i32
    %mul3A_34 = arith.muli %add3A_32, %mul3A_33 : i32
    %dma_start3A_35 = arith.constant 0 : i32
    %dma_start3A_36 = arith.constant 256 : i32
    %dma_start3A_37 = tpu.memref_slice %arg4[%dma_start3A_35, %dma_start3A_36] : memref<26x512xi32, #tpu.memory_space<vmem>> -> memref<26x128xi32, #tpu.memory_space<vmem>>
    %dma_start3A_38 = arith.constant 0 : i32
    %dma_start3A_39 = tpu.memref_slice %arg2[%dma_start3A_38, %mul3A_34] : memref<26x16384xi32, #tpu.memory_space<hbm>> -> memref<26x128xi32, #tpu.memory_space<hbm>>
    %dma_start3A_40 = arith.constant 0 : i32
    %dma_start3A_41 = arith.constant 256 : i32
    %dma_start3A_42 = tpu.memref_slice %arg4[%dma_start3A_40, %dma_start3A_41] : memref<26x512xi32, #tpu.memory_space<vmem>> -> memref<26x128xi32, #tpu.memory_space<vmem>>
    %dma_start3A_43 = arith.constant 0 : i32
    %dma_start3A_44 = tpu.memref_slice %arg2[%dma_start3A_43, %mul3A_34] : memref<26x16384xi32, #tpu.memory_space<hbm>> -> memref<26x128xi32, #tpu.memory_space<hbm>>
    tpu.enqueue_dma source(%dma_start3A_44 : memref<26x128xi32, #tpu.memory_space<hbm>>) target(%dma_start3A_42 : memref<26x128xi32, #tpu.memory_space<vmem>>) target_semaphore(%arg6 : memref<!tpu.dma_semaphore, #tpu.memory_space<semaphore_mem>>)
    %add3A_45 = arith.constant 96 : i32
    %add3A_46 = arith.addi %add3A_45, %add3A : i32
    %mul3A_47 = arith.constant 128 : i32
    %mul3A_48 = arith.muli %add3A_46, %mul3A_47 : i32
    %dma_start3A_49 = arith.constant 0 : i32
    %dma_start3A_50 = arith.constant 384 : i32
    %dma_start3A_51 = tpu.memref_slice %arg4[%dma_start3A_49, %dma_start3A_50] : memref<26x512xi32, #tpu.memory_space<vmem>> -> memref<26x128xi32, #tpu.memory_space<vmem>>
    %dma_start3A_52 = arith.constant 0 : i32
    %dma_start3A_53 = tpu.memref_slice %arg2[%dma_start3A_52, %mul3A_48] : memref<26x16384xi32, #tpu.memory_space<hbm>> -> memref<26x128xi32, #tpu.memory_space<hbm>>
    %dma_start3A_54 = arith.constant 0 : i32
    %dma_start3A_55 = arith.constant 384 : i32
    %dma_start3A_56 = tpu.memref_slice %arg4[%dma_start3A_54, %dma_start3A_55] : memref<26x512xi32, #tpu.memory_space<vmem>> -> memref<26x128xi32, #tpu.memory_space<vmem>>
    %dma_start3A_57 = arith.constant 0 : i32
    %dma_start3A_58 = tpu.memref_slice %arg2[%dma_start3A_57, %mul3A_48] : memref<26x16384xi32, #tpu.memory_space<hbm>> -> memref<26x128xi32, #tpu.memory_space<hbm>>
    tpu.enqueue_dma source(%dma_start3A_58 : memref<26x128xi32, #tpu.memory_space<hbm>>) target(%dma_start3A_56 : memref<26x128xi32, #tpu.memory_space<vmem>>) target_semaphore(%arg6 : memref<!tpu.dma_semaphore, #tpu.memory_space<semaphore_mem>>)
    %scan3A = arith.constant 0 : i32
    %scan3A_59 = arith.constant 0 : i32
    %scan3A_60 = arith.constant 1600 : i32
    %scan3A_61 = arith.addi %scan3A_59, %scan3A_60 : i32
    %scan3A_62 = arith.constant 1 : i32
    scf.for %scan3A_642 = %scan3A_59 to %scan3A_61 step %scan3A_62  : i32 {
      %shift_right_arithmetic3A_643 = arith.constant 3 : i32
      %shift_right_arithmetic3A_644 = arith.shrsi %scan3A_642, %shift_right_arithmetic3A_643 : i32
      %and3A_645 = arith.constant 7 : i32
      %and3A_646 = arith.andi %scan3A_642, %and3A_645 : i32
      %mul3A_647 = arith.constant 16 : i32
      %mul3A_648 = arith.muli %and3A_646, %mul3A_647 : i32
      %swap3A = arith.constant 0 : i32
      %swap3A_649 = arith.index_cast %swap3A : i32 to index
      %swap3A_650 = arith.index_cast %shift_right_arithmetic3A_644 : i32 to index
      %swap3A_651 = arith.index_cast %mul3A_648 : i32 to index
      %swap3A_652 = tpu.vector_load %arg5[%swap3A_649, %swap3A_650, %swap3A_651] {strides = array<i32>} : memref<2x200x128xi32, #tpu.memory_space<vmem>>, vector<16xi32>,
      tpu.vector_store %arg5[%swap3A_649, %swap3A_650, %swap3A_651], %broadcast_in_dim3A_3 {strides = array<i32>} : memref<2x200x128xi32, #tpu.memory_space<vmem>>, vector<16xi32>,
    }
    %scan3A_63 = arith.constant 1600 : i32
    %scan3A_64 = arith.constant 0 : i32
    %scan3A_65 = arith.constant 0 : i32
    %scan3A_66 = arith.constant 1600 : i32
    %scan3A_67 = arith.addi %scan3A_65, %scan3A_66 : i32
    %scan3A_68 = arith.constant 1 : i32
    scf.for %scan3A_642 = %scan3A_65 to %scan3A_67 step %scan3A_68  : i32 {
      %shift_right_arithmetic3A_643 = arith.constant 3 : i32
      %shift_right_arithmetic3A_644 = arith.shrsi %scan3A_642, %shift_right_arithmetic3A_643 : i32
      %and3A_645 = arith.constant 7 : i32
      %and3A_646 = arith.andi %scan3A_642, %and3A_645 : i32
      %mul3A_647 = arith.constant 16 : i32
      %mul3A_648 = arith.muli %and3A_646, %mul3A_647 : i32
      %swap3A = arith.constant 1 : i32
      %swap3A_649 = arith.index_cast %swap3A : i32 to index
      %swap3A_650 = arith.index_cast %shift_right_arithmetic3A_644 : i32 to index
      %swap3A_651 = arith.index_cast %mul3A_648 : i32 to index
      %swap3A_652 = tpu.vector_load %arg5[%swap3A_649, %swap3A_650, %swap3A_651] {strides = array<i32>} : memref<2x200x128xi32, #tpu.memory_space<vmem>>, vector<16xi32>,
      tpu.vector_store %arg5[%swap3A_649, %swap3A_650, %swap3A_651], %broadcast_in_dim3A_3 {strides = array<i32>} : memref<2x200x128xi32, #tpu.memory_space<vmem>>, vector<16xi32>,
    }
    %scan3A_69 = arith.constant 1600 : i32
    %dma_wait3A = arith.constant 0 : i32
    %dma_wait3A_70 = arith.constant 0 : i32
    %dma_wait3A_71 = tpu.memref_slice %arg4[%dma_wait3A, %dma_wait3A_70] : memref<26x512xi32, #tpu.memory_space<vmem>> -> memref<26x128xi32, #tpu.memory_space<vmem>>
    %dma_wait3A_72 = arith.constant 0 : i32
    %dma_wait3A_73 = tpu.memref_slice %arg2[%dma_wait3A_72, %mul3A_7] : memref<26x16384xi32, #tpu.memory_space<hbm>> -> memref<26x128xi32, #tpu.memory_space<hbm>>
    %dma_wait3A_74 = arith.constant 0 : i32
    %dma_wait3A_75 = arith.constant 0 : i32
    %dma_wait3A_76 = tpu.memref_slice %arg4[%dma_wait3A_74, %dma_wait3A_75] : memref<26x512xi32, #tpu.memory_space<vmem>> -> memref<26x128xi32, #tpu.memory_space<vmem>>
    %dma_wait3A_77 = arith.constant 0 : i32
    %dma_wait3A_78 = tpu.memref_slice %arg2[%dma_wait3A_77, %mul3A_7] : memref<26x16384xi32, #tpu.memory_space<hbm>> -> memref<26x128xi32, #tpu.memory_space<hbm>>
    tpu.wait_dma2 semaphore(%arg6 : memref<!tpu.dma_semaphore, #tpu.memory_space<semaphore_mem>>) src(%dma_wait3A_78 : memref<26x128xi32, #tpu.memory_space<hbm>>) dst(%dma_wait3A_76 : memref<26x128xi32, #tpu.memory_space<vmem>>)
    %dma_wait3A_79 = arith.constant 0 : i32
    %dma_wait3A_80 = arith.constant 128 : i32
    %dma_wait3A_81 = tpu.memref_slice %arg4[%dma_wait3A_79, %dma_wait3A_80] : memref<26x512xi32, #tpu.memory_space<vmem>> -> memref<26x128xi32, #tpu.memory_space<vmem>>
    %dma_wait3A_82 = arith.constant 0 : i32
    %dma_wait3A_83 = tpu.memref_slice %arg2[%dma_wait3A_82, %mul3A_20] : memref<26x16384xi32, #tpu.memory_space<hbm>> -> memref<26x128xi32, #tpu.memory_space<hbm>>
    %dma_wait3A_84 = arith.constant 0 : i32
    %dma_wait3A_85 = arith.constant 128 : i32
    %dma_wait3A_86 = tpu.memref_slice %arg4[%dma_wait3A_84, %dma_wait3A_85] : memref<26x512xi32, #tpu.memory_space<vmem>> -> memref<26x128xi32, #tpu.memory_space<vmem>>
    %dma_wait3A_87 = arith.constant 0 : i32
    %dma_wait3A_88 = tpu.memref_slice %arg2[%dma_wait3A_87, %mul3A_20] : memref<26x16384xi32, #tpu.memory_space<hbm>> -> memref<26x128xi32, #tpu.memory_space<hbm>>
    tpu.wait_dma2 semaphore(%arg6 : memref<!tpu.dma_semaphore, #tpu.memory_space<semaphore_mem>>) src(%dma_wait3A_88 : memref<26x128xi32, #tpu.memory_space<hbm>>) dst(%dma_wait3A_86 : memref<26x128xi32, #tpu.memory_space<vmem>>)
    %dma_wait3A_89 = arith.constant 0 : i32
    %dma_wait3A_90 = arith.constant 256 : i32
    %dma_wait3A_91 = tpu.memref_slice %arg4[%dma_wait3A_89, %dma_wait3A_90] : memref<26x512xi32, #tpu.memory_space<vmem>> -> memref<26x128xi32, #tpu.memory_space<vmem>>
    %dma_wait3A_92 = arith.constant 0 : i32
    %dma_wait3A_93 = tpu.memref_slice %arg2[%dma_wait3A_92, %mul3A_34] : memref<26x16384xi32, #tpu.memory_space<hbm>> -> memref<26x128xi32, #tpu.memory_space<hbm>>
    %dma_wait3A_94 = arith.constant 0 : i32
    %dma_wait3A_95 = arith.constant 256 : i32
    %dma_wait3A_96 = tpu.memref_slice %arg4[%dma_wait3A_94, %dma_wait3A_95] : memref<26x512xi32, #tpu.memory_space<vmem>> -> memref<26x128xi32, #tpu.memory_space<vmem>>
    %dma_wait3A_97 = arith.constant 0 : i32
    %dma_wait3A_98 = tpu.memref_slice %arg2[%dma_wait3A_97, %mul3A_34] : memref<26x16384xi32, #tpu.memory_space<hbm>> -> memref<26x128xi32, #tpu.memory_space<hbm>>
    tpu.wait_dma2 semaphore(%arg6 : memref<!tpu.dma_semaphore, #tpu.memory_space<semaphore_mem>>) src(%dma_wait3A_98 : memref<26x128xi32, #tpu.memory_space<hbm>>) dst(%dma_wait3A_96 : memref<26x128xi32, #tpu.memory_space<vmem>>)
    %dma_wait3A_99 = arith.constant 0 : i32
    %dma_wait3A_100 = arith.constant 384 : i32
    %dma_wait3A_101 = tpu.memref_slice %arg4[%dma_wait3A_99, %dma_wait3A_100] : memref<26x512xi32, #tpu.memory_space<vmem>> -> memref<26x128xi32, #tpu.memory_space<vmem>>
    %dma_wait3A_102 = arith.constant 0 : i32
    %dma_wait3A_103 = tpu.memref_slice %arg2[%dma_wait3A_102, %mul3A_48] : memref<26x16384xi32, #tpu.memory_space<hbm>> -> memref<26x128xi32, #tpu.memory_space<hbm>>
    %dma_wait3A_104 = arith.constant 0 : i32
    %dma_wait3A_105 = arith.constant 384 : i32
    %dma_wait3A_106 = tpu.memref_slice %arg4[%dma_wait3A_104, %dma_wait3A_105] : memref<26x512xi32, #tpu.memory_space<vmem>> -> memref<26x128xi32, #tpu.memory_space<vmem>>
    %dma_wait3A_107 = arith.constant 0 : i32
    %dma_wait3A_108 = tpu.memref_slice %arg2[%dma_wait3A_107, %mul3A_48] : memref<26x16384xi32, #tpu.memory_space<hbm>> -> memref<26x128xi32, #tpu.memory_space<hbm>>
    tpu.wait_dma2 semaphore(%arg6 : memref<!tpu.dma_semaphore, #tpu.memory_space<semaphore_mem>>) src(%dma_wait3A_108 : memref<26x128xi32, #tpu.memory_space<hbm>>) dst(%dma_wait3A_106 : memref<26x128xi32, #tpu.memory_space<vmem>>)
    %shift_right_arithmetic3A = arith.constant 0 : i32
    %shift_right_arithmetic3A_109 = arith.constant 2 : i32
    %shift_right_arithmetic3A_110 = arith.shrsi %shift_right_arithmetic3A, %shift_right_arithmetic3A_109 : i32
    %and3A = arith.constant 0 : i32
    %and3A_111 = arith.constant 3 : i32
    %and3A_112 = arith.andi %and3A, %and3A_111 : i32
    %broadcast_in_dim3A_113 = arith.constant 0 : i32
    %broadcast_in_dim3A_114 = vector.broadcast %broadcast_in_dim3A_113 : i32 to vector<16xi32>
    %mul3A_115 = arith.constant 2 : i32
    %mul3A_116 = arith.muli %mul3A_115, %shift_right_arithmetic3A_110 : i32
    %add3A_117 = arith.constant 0 : i32
    %add3A_118 = arith.addi %mul3A_116, %add3A_117 : i32
    %broadcast_in_dim3A_119 = vector.broadcast %add3A_118 : i32 to vector<16xi32>
    %mul3A_120 = arith.constant 128 : i32
    %mul3A_121 = arith.muli %and3A_112, %mul3A_120 : i32
    %add3A_122 = arith.constant 0 : i32
    %add3A_123 = arith.addi %mul3A_121, %add3A_122 : i32
    %add3A_124 = vector.broadcast %add3A_123 : i32 to vector<16xi32>
    %add3A_125 = arith.addi %add3A_124, %iota3A : vector<16xi32>
    %gather3A = tpu.vector_load_idx %arg4[%broadcast_in_dim3A_119, %add3A_125] : memref<26x512xi32, #tpu.memory_space<vmem>>[vector<16xi32>, vector<16xi32>], vector<16xi32>,
    %add3A_126 = arith.constant 0 : i32
    %add3A_127 = vector.broadcast %add3A_126 : i32 to vector<16xi32>
    %add3A_128 = arith.addi %add3A_127, %gather3A : vector<16xi32>
    %add3A_129 = arith.constant 0 : i32
    %add3A_130 = vector.broadcast %add3A_129 : i32 to vector<16xi32>
    %add3A_131 = arith.addi %add3A_130, %iota3A : vector<16xi32>
    tpu.vector_store_idx %arg5[%broadcast_in_dim3A_114, %add3A_128, %add3A_131], %broadcast_in_dim3A_1 : memref<2x200x128xi32, #tpu.memory_space<vmem>>[vector<16xi32>, vector<16xi32>, vector<16xi32>], vector<16xi32>,
    %mul3A_132 = arith.constant 128 : i32
    %mul3A_133 = arith.muli %and3A_112, %mul3A_132 : i32
    %add3A_134 = arith.constant 16 : i32
    %add3A_135 = arith.addi %mul3A_133, %add3A_134 : i32
    %add3A_136 = vector.broadcast %add3A_135 : i32 to vector<16xi32>
    %add3A_137 = arith.addi %add3A_136, %iota3A : vector<16xi32>
    %gather3A_138 = tpu.vector_load_idx %arg4[%broadcast_in_dim3A_119, %add3A_137] : memref<26x512xi32, #tpu.memory_space<vmem>>[vector<16xi32>, vector<16xi32>], vector<16xi32>,
    %add3A_139 = arith.constant 0 : i32
    %add3A_140 = vector.broadcast %add3A_139 : i32 to vector<16xi32>
    %add3A_141 = arith.addi %add3A_140, %gather3A_138 : vector<16xi32>
    %add3A_142 = arith.constant 16 : i32
    %add3A_143 = vector.broadcast %add3A_142 : i32 to vector<16xi32>
    %add3A_144 = arith.addi %add3A_143, %iota3A : vector<16xi32>
    tpu.vector_store_idx %arg5[%broadcast_in_dim3A_114, %add3A_141, %add3A_144], %broadcast_in_dim3A_1 : memref<2x200x128xi32, #tpu.memory_space<vmem>>[vector<16xi32>, vector<16xi32>, vector<16xi32>], vector<16xi32>,
    %mul3A_145 = arith.constant 128 : i32
    %mul3A_146 = arith.muli %and3A_112, %mul3A_145 : i32
    %add3A_147 = arith.constant 32 : i32
    %add3A_148 = arith.addi %mul3A_146, %add3A_147 : i32
    %add3A_149 = vector.broadcast %add3A_148 : i32 to vector<16xi32>
    %add3A_150 = arith.addi %add3A_149, %iota3A : vector<16xi32>
    %gather3A_151 = tpu.vector_load_idx %arg4[%broadcast_in_dim3A_119, %add3A_150] : memref<26x512xi32, #tpu.memory_space<vmem>>[vector<16xi32>, vector<16xi32>], vector<16xi32>,
    %add3A_152 = arith.constant 0 : i32
    %add3A_153 = vector.broadcast %add3A_152 : i32 to vector<16xi32>
    %add3A_154 = arith.addi %add3A_153, %gather3A_151 : vector<16xi32>
    %add3A_155 = arith.constant 32 : i32
    %add3A_156 = vector.broadcast %add3A_155 : i32 to vector<16xi32>
    %add3A_157 = arith.addi %add3A_156, %iota3A : vector<16xi32>
    tpu.vector_store_idx %arg5[%broadcast_in_dim3A_114, %add3A_154, %add3A_157], %broadcast_in_dim3A_1 : memref<2x200x128xi32, #tpu.memory_space<vmem>>[vector<16xi32>, vector<16xi32>, vector<16xi32>], vector<16xi32>,
    %mul3A_158 = arith.constant 128 : i32
    %mul3A_159 = arith.muli %and3A_112, %mul3A_158 : i32
    %add3A_160 = arith.constant 48 : i32
    %add3A_161 = arith.addi %mul3A_159, %add3A_160 : i32
    %add3A_162 = vector.broadcast %add3A_161 : i32 to vector<16xi32>
    %add3A_163 = arith.addi %add3A_162, %iota3A : vector<16xi32>
    %gather3A_164 = tpu.vector_load_idx %arg4[%broadcast_in_dim3A_119, %add3A_163] : memref<26x512xi32, #tpu.memory_space<vmem>>[vector<16xi32>, vector<16xi32>], vector<16xi32>,
    %add3A_165 = arith.constant 0 : i32
    %add3A_166 = vector.broadcast %add3A_165 : i32 to vector<16xi32>
    %add3A_167 = arith.addi %add3A_166, %gather3A_164 : vector<16xi32>
    %add3A_168 = arith.constant 48 : i32
    %add3A_169 = vector.broadcast %add3A_168 : i32 to vector<16xi32>
    %add3A_170 = arith.addi %add3A_169, %iota3A : vector<16xi32>
    tpu.vector_store_idx %arg5[%broadcast_in_dim3A_114, %add3A_167, %add3A_170], %broadcast_in_dim3A_1 : memref<2x200x128xi32, #tpu.memory_space<vmem>>[vector<16xi32>, vector<16xi32>, vector<16xi32>], vector<16xi32>,
    %mul3A_171 = arith.constant 128 : i32
    %mul3A_172 = arith.muli %and3A_112, %mul3A_171 : i32
    %add3A_173 = arith.constant 64 : i32
    %add3A_174 = arith.addi %mul3A_172, %add3A_173 : i32
    %add3A_175 = vector.broadcast %add3A_174 : i32 to vector<16xi32>
    %add3A_176 = arith.addi %add3A_175, %iota3A : vector<16xi32>
    %gather3A_177 = tpu.vector_load_idx %arg4[%broadcast_in_dim3A_119, %add3A_176] : memref<26x512xi32, #tpu.memory_space<vmem>>[vector<16xi32>, vector<16xi32>], vector<16xi32>,
    %add3A_178 = arith.constant 0 : i32
    %add3A_179 = vector.broadcast %add3A_178 : i32 to vector<16xi32>
    %add3A_180 = arith.addi %add3A_179, %gather3A_177 : vector<16xi32>
    %add3A_181 = arith.constant 64 : i32
    %add3A_182 = vector.broadcast %add3A_181 : i32 to vector<16xi32>
    %add3A_183 = arith.addi %add3A_182, %iota3A : vector<16xi32>
    tpu.vector_store_idx %arg5[%broadcast_in_dim3A_114, %add3A_180, %add3A_183], %broadcast_in_dim3A_1 : memref<2x200x128xi32, #tpu.memory_space<vmem>>[vector<16xi32>, vector<16xi32>, vector<16xi32>], vector<16xi32>,
    %mul3A_184 = arith.constant 128 : i32
    %mul3A_185 = arith.muli %and3A_112, %mul3A_184 : i32
    %add3A_186 = arith.constant 80 : i32
    %add3A_187 = arith.addi %mul3A_185, %add3A_186 : i32
    %add3A_188 = vector.broadcast %add3A_187 : i32 to vector<16xi32>
    %add3A_189 = arith.addi %add3A_188, %iota3A : vector<16xi32>
    %gather3A_190 = tpu.vector_load_idx %arg4[%broadcast_in_dim3A_119, %add3A_189] : memref<26x512xi32, #tpu.memory_space<vmem>>[vector<16xi32>, vector<16xi32>], vector<16xi32>,
    %add3A_191 = arith.constant 0 : i32
    %add3A_192 = vector.broadcast %add3A_191 : i32 to vector<16xi32>
    %add3A_193 = arith.addi %add3A_192, %gather3A_190 : vector<16xi32>
    %add3A_194 = arith.constant 80 : i32
    %add3A_195 = vector.broadcast %add3A_194 : i32 to vector<16xi32>
    %add3A_196 = arith.addi %add3A_195, %iota3A : vector<16xi32>
    tpu.vector_store_idx %arg5[%broadcast_in_dim3A_114, %add3A_193, %add3A_196], %broadcast_in_dim3A_1 : memref<2x200x128xi32, #tpu.memory_space<vmem>>[vector<16xi32>, vector<16xi32>, vector<16xi32>], vector<16xi32>,
    %mul3A_197 = arith.constant 128 : i32
    %mul3A_198 = arith.muli %and3A_112, %mul3A_197 : i32
    %add3A_199 = arith.constant 96 : i32
    %add3A_200 = arith.addi %mul3A_198, %add3A_199 : i32
    %add3A_201 = vector.broadcast %add3A_200 : i32 to vector<16xi32>
    %add3A_202 = arith.addi %add3A_201, %iota3A : vector<16xi32>
    %gather3A_203 = tpu.vector_load_idx %arg4[%broadcast_in_dim3A_119, %add3A_202] : memref<26x512xi32, #tpu.memory_space<vmem>>[vector<16xi32>, vector<16xi32>], vector<16xi32>,
    %add3A_204 = arith.constant 0 : i32
    %add3A_205 = vector.broadcast %add3A_204 : i32 to vector<16xi32>
    %add3A_206 = arith.addi %add3A_205, %gather3A_203 : vector<16xi32>
    %add3A_207 = arith.constant 96 : i32
    %add3A_208 = vector.broadcast %add3A_207 : i32 to vector<16xi32>
    %add3A_209 = arith.addi %add3A_208, %iota3A : vector<16xi32>
    tpu.vector_store_idx %arg5[%broadcast_in_dim3A_114, %add3A_206, %add3A_209], %broadcast_in_dim3A_1 : memref<2x200x128xi32, #tpu.memory_space<vmem>>[vector<16xi32>, vector<16xi32>, vector<16xi32>], vector<16xi32>,
    %mul3A_210 = arith.constant 128 : i32
    %mul3A_211 = arith.muli %and3A_112, %mul3A_210 : i32
    %add3A_212 = arith.constant 112 : i32
    %add3A_213 = arith.addi %mul3A_211, %add3A_212 : i32
    %add3A_214 = vector.broadcast %add3A_213 : i32 to vector<16xi32>
    %add3A_215 = arith.addi %add3A_214, %iota3A : vector<16xi32>
    %gather3A_216 = tpu.vector_load_idx %arg4[%broadcast_in_dim3A_119, %add3A_215] : memref<26x512xi32, #tpu.memory_space<vmem>>[vector<16xi32>, vector<16xi32>], vector<16xi32>,
    %add3A_217 = arith.constant 0 : i32
    %add3A_218 = vector.broadcast %add3A_217 : i32 to vector<16xi32>
    %add3A_219 = arith.addi %add3A_218, %gather3A_216 : vector<16xi32>
    %add3A_220 = arith.constant 112 : i32
    %add3A_221 = vector.broadcast %add3A_220 : i32 to vector<16xi32>
    %add3A_222 = arith.addi %add3A_221, %iota3A : vector<16xi32>
    tpu.vector_store_idx %arg5[%broadcast_in_dim3A_114, %add3A_219, %add3A_222], %broadcast_in_dim3A_1 : memref<2x200x128xi32, #tpu.memory_space<vmem>>[vector<16xi32>, vector<16xi32>, vector<16xi32>], vector<16xi32>,
    %mul3A_223 = arith.constant 2 : i32
    %mul3A_224 = arith.muli %mul3A_223, %shift_right_arithmetic3A_110 : i32
    %add3A_225 = arith.constant 1 : i32
    %add3A_226 = arith.addi %mul3A_224, %add3A_225 : i32
    %broadcast_in_dim3A_227 = vector.broadcast %add3A_226 : i32 to vector<16xi32>
    %mul3A_228 = arith.constant 128 : i32
    %mul3A_229 = arith.muli %and3A_112, %mul3A_228 : i32
    %add3A_230 = arith.constant 0 : i32
    %add3A_231 = arith.addi %mul3A_229, %add3A_230 : i32
    %add3A_232 = vector.broadcast %add3A_231 : i32 to vector<16xi32>
    %add3A_233 = arith.addi %add3A_232, %iota3A : vector<16xi32>
    %gather3A_234 = tpu.vector_load_idx %arg4[%broadcast_in_dim3A_227, %add3A_233] : memref<26x512xi32, #tpu.memory_space<vmem>>[vector<16xi32>, vector<16xi32>], vector<16xi32>,
    %add3A_235 = arith.constant 100 : i32
    %add3A_236 = vector.broadcast %add3A_235 : i32 to vector<16xi32>
    %add3A_237 = arith.addi %add3A_236, %gather3A_234 : vector<16xi32>
    %add3A_238 = arith.constant 0 : i32
    %add3A_239 = vector.broadcast %add3A_238 : i32 to vector<16xi32>
    %add3A_240 = arith.addi %add3A_239, %iota3A : vector<16xi32>
    tpu.vector_store_idx %arg5[%broadcast_in_dim3A_114, %add3A_237, %add3A_240], %broadcast_in_dim3A_1 : memref<2x200x128xi32, #tpu.memory_space<vmem>>[vector<16xi32>, vector<16xi32>, vector<16xi32>], vector<16xi32>,
    %mul3A_241 = arith.constant 128 : i32
    %mul3A_242 = arith.muli %and3A_112, %mul3A_241 : i32
    %add3A_243 = arith.constant 16 : i32
    %add3A_244 = arith.addi %mul3A_242, %add3A_243 : i32
    %add3A_245 = vector.broadcast %add3A_244 : i32 to vector<16xi32>
    %add3A_246 = arith.addi %add3A_245, %iota3A : vector<16xi32>
    %gather3A_247 = tpu.vector_load_idx %arg4[%broadcast_in_dim3A_227, %add3A_246] : memref<26x512xi32, #tpu.memory_space<vmem>>[vector<16xi32>, vector<16xi32>], vector<16xi32>,
    %add3A_248 = arith.constant 100 : i32
    %add3A_249 = vector.broadcast %add3A_248 : i32 to vector<16xi32>
    %add3A_250 = arith.addi %add3A_249, %gather3A_247 : vector<16xi32>
    %add3A_251 = arith.constant 16 : i32
    %add3A_252 = vector.broadcast %add3A_251 : i32 to vector<16xi32>
    %add3A_253 = arith.addi %add3A_252, %iota3A : vector<16xi32>
    tpu.vector_store_idx %arg5[%broadcast_in_dim3A_114, %add3A_250, %add3A_253], %broadcast_in_dim3A_1 : memref<2x200x128xi32, #tpu.memory_space<vmem>>[vector<16xi32>, vector<16xi32>, vector<16xi32>], vector<16xi32>,
    %mul3A_254 = arith.constant 128 : i32
    %mul3A_255 = arith.muli %and3A_112, %mul3A_254 : i32
    %add3A_256 = arith.constant 32 : i32
    %add3A_257 = arith.addi %mul3A_255, %add3A_256 : i32
    %add3A_258 = vector.broadcast %add3A_257 : i32 to vector<16xi32>
    %add3A_259 = arith.addi %add3A_258, %iota3A : vector<16xi32>
    %gather3A_260 = tpu.vector_load_idx %arg4[%broadcast_in_dim3A_227, %add3A_259] : memref<26x512xi32, #tpu.memory_space<vmem>>[vector<16xi32>, vector<16xi32>], vector<16xi32>,
    %add3A_261 = arith.constant 100 : i32
    %add3A_262 = vector.broadcast %add3A_261 : i32 to vector<16xi32>
    %add3A_263 = arith.addi %add3A_262, %gather3A_260 : vector<16xi32>
    %add3A_264 = arith.constant 32 : i32
    %add3A_265 = vector.broadcast %add3A_264 : i32 to vector<16xi32>
    %add3A_266 = arith.addi %add3A_265, %iota3A : vector<16xi32>
    tpu.vector_store_idx %arg5[%broadcast_in_dim3A_114, %add3A_263, %add3A_266], %broadcast_in_dim3A_1 : memref<2x200x128xi32, #tpu.memory_space<vmem>>[vector<16xi32>, vector<16xi32>, vector<16xi32>], vector<16xi32>,
    %mul3A_267 = arith.constant 128 : i32
    %mul3A_268 = arith.muli %and3A_112, %mul3A_267 : i32
    %add3A_269 = arith.constant 48 : i32
    %add3A_270 = arith.addi %mul3A_268, %add3A_269 : i32
    %add3A_271 = vector.broadcast %add3A_270 : i32 to vector<16xi32>
    %add3A_272 = arith.addi %add3A_271, %iota3A : vector<16xi32>
    %gather3A_273 = tpu.vector_load_idx %arg4[%broadcast_in_dim3A_227, %add3A_272] : memref<26x512xi32, #tpu.memory_space<vmem>>[vector<16xi32>, vector<16xi32>], vector<16xi32>,
    %add3A_274 = arith.constant 100 : i32
    %add3A_275 = vector.broadcast %add3A_274 : i32 to vector<16xi32>
    %add3A_276 = arith.addi %add3A_275, %gather3A_273 : vector<16xi32>
    %add3A_277 = arith.constant 48 : i32
    %add3A_278 = vector.broadcast %add3A_277 : i32 to vector<16xi32>
    %add3A_279 = arith.addi %add3A_278, %iota3A : vector<16xi32>
    tpu.vector_store_idx %arg5[%broadcast_in_dim3A_114, %add3A_276, %add3A_279], %broadcast_in_dim3A_1 : memref<2x200x128xi32, #tpu.memory_space<vmem>>[vector<16xi32>, vector<16xi32>, vector<16xi32>], vector<16xi32>,
    %mul3A_280 = arith.constant 128 : i32
    %mul3A_281 = arith.muli %and3A_112, %mul3A_280 : i32
    %add3A_282 = arith.constant 64 : i32
    %add3A_283 = arith.addi %mul3A_281, %add3A_282 : i32
    %add3A_284 = vector.broadcast %add3A_283 : i32 to vector<16xi32>
    %add3A_285 = arith.addi %add3A_284, %iota3A : vector<16xi32>
    %gather3A_286 = tpu.vector_load_idx %arg4[%broadcast_in_dim3A_227, %add3A_285] : memref<26x512xi32, #tpu.memory_space<vmem>>[vector<16xi32>, vector<16xi32>], vector<16xi32>,
    %add3A_287 = arith.constant 100 : i32
    %add3A_288 = vector.broadcast %add3A_287 : i32 to vector<16xi32>
    %add3A_289 = arith.addi %add3A_288, %gather3A_286 : vector<16xi32>
    %add3A_290 = arith.constant 64 : i32
    %add3A_291 = vector.broadcast %add3A_290 : i32 to vector<16xi32>
    %add3A_292 = arith.addi %add3A_291, %iota3A : vector<16xi32>
    tpu.vector_store_idx %arg5[%broadcast_in_dim3A_114, %add3A_289, %add3A_292], %broadcast_in_dim3A_1 : memref<2x200x128xi32, #tpu.memory_space<vmem>>[vector<16xi32>, vector<16xi32>, vector<16xi32>], vector<16xi32>,
    %mul3A_293 = arith.constant 128 : i32
    %mul3A_294 = arith.muli %and3A_112, %mul3A_293 : i32
    %add3A_295 = arith.constant 80 : i32
    %add3A_296 = arith.addi %mul3A_294, %add3A_295 : i32
    %add3A_297 = vector.broadcast %add3A_296 : i32 to vector<16xi32>
    %add3A_298 = arith.addi %add3A_297, %iota3A : vector<16xi32>
    %gather3A_299 = tpu.vector_load_idx %arg4[%broadcast_in_dim3A_227, %add3A_298] : memref<26x512xi32, #tpu.memory_space<vmem>>[vector<16xi32>, vector<16xi32>], vector<16xi32>,
    %add3A_300 = arith.constant 100 : i32
    %add3A_301 = vector.broadcast %add3A_300 : i32 to vector<16xi32>
    %add3A_302 = arith.addi %add3A_301, %gather3A_299 : vector<16xi32>
    %add3A_303 = arith.constant 80 : i32
    %add3A_304 = vector.broadcast %add3A_303 : i32 to vector<16xi32>
    %add3A_305 = arith.addi %add3A_304, %iota3A : vector<16xi32>
    tpu.vector_store_idx %arg5[%broadcast_in_dim3A_114, %add3A_302, %add3A_305], %broadcast_in_dim3A_1 : memref<2x200x128xi32, #tpu.memory_space<vmem>>[vector<16xi32>, vector<16xi32>, vector<16xi32>], vector<16xi32>,
    %mul3A_306 = arith.constant 128 : i32
    %mul3A_307 = arith.muli %and3A_112, %mul3A_306 : i32
    %add3A_308 = arith.constant 96 : i32
    %add3A_309 = arith.addi %mul3A_307, %add3A_308 : i32
    %add3A_310 = vector.broadcast %add3A_309 : i32 to vector<16xi32>
    %add3A_311 = arith.addi %add3A_310, %iota3A : vector<16xi32>
    %gather3A_312 = tpu.vector_load_idx %arg4[%broadcast_in_dim3A_227, %add3A_311] : memref<26x512xi32, #tpu.memory_space<vmem>>[vector<16xi32>, vector<16xi32>], vector<16xi32>,
    %add3A_313 = arith.constant 100 : i32
    %add3A_314 = vector.broadcast %add3A_313 : i32 to vector<16xi32>
    %add3A_315 = arith.addi %add3A_314, %gather3A_312 : vector<16xi32>
    %add3A_316 = arith.constant 96 : i32
    %add3A_317 = vector.broadcast %add3A_316 : i32 to vector<16xi32>
    %add3A_318 = arith.addi %add3A_317, %iota3A : vector<16xi32>
    tpu.vector_store_idx %arg5[%broadcast_in_dim3A_114, %add3A_315, %add3A_318], %broadcast_in_dim3A_1 : memref<2x200x128xi32, #tpu.memory_space<vmem>>[vector<16xi32>, vector<16xi32>, vector<16xi32>], vector<16xi32>,
    %mul3A_319 = arith.constant 128 : i32
    %mul3A_320 = arith.muli %and3A_112, %mul3A_319 : i32
    %add3A_321 = arith.constant 112 : i32
    %add3A_322 = arith.addi %mul3A_320, %add3A_321 : i32
    %add3A_323 = vector.broadcast %add3A_322 : i32 to vector<16xi32>
    %add3A_324 = arith.addi %add3A_323, %iota3A : vector<16xi32>
    %gather3A_325 = tpu.vector_load_idx %arg4[%broadcast_in_dim3A_227, %add3A_324] : memref<26x512xi32, #tpu.memory_space<vmem>>[vector<16xi32>, vector<16xi32>], vector<16xi32>,
    %add3A_326 = arith.constant 100 : i32
    %add3A_327 = vector.broadcast %add3A_326 : i32 to vector<16xi32>
    %add3A_328 = arith.addi %add3A_327, %gather3A_325 : vector<16xi32>
    %add3A_329 = arith.constant 112 : i32
    %add3A_330 = vector.broadcast %add3A_329 : i32 to vector<16xi32>
    %add3A_331 = arith.addi %add3A_330, %iota3A : vector<16xi32>
    tpu.vector_store_idx %arg5[%broadcast_in_dim3A_114, %add3A_328, %add3A_331], %broadcast_in_dim3A_1 : memref<2x200x128xi32, #tpu.memory_space<vmem>>[vector<16xi32>, vector<16xi32>, vector<16xi32>], vector<16xi32>,
    %shift_right_arithmetic3A_332 = arith.constant 0 : i32
    %shift_right_arithmetic3A_333 = arith.constant 2 : i32
    %shift_right_arithmetic3A_334 = arith.shrsi %shift_right_arithmetic3A_332, %shift_right_arithmetic3A_333 : i32
    %and3A_335 = arith.constant 0 : i32
    %and3A_336 = arith.constant 3 : i32
    %and3A_337 = arith.andi %and3A_335, %and3A_336 : i32
    %mul3A_338 = arith.constant 200 : i32
    %mul3A_339 = arith.muli %shift_right_arithmetic3A_334, %mul3A_338 : i32
    %mul3A_340 = arith.constant 32 : i32
    %mul3A_341 = arith.muli %and3A_337, %mul3A_340 : i32
    %add3A_342 = arith.addi %mul3A_341, %add3A : i32
    %mul3A_343 = arith.constant 128 : i32
    %mul3A_344 = arith.muli %add3A_342, %mul3A_343 : i32
    %dma_start3A_345 = arith.constant 0 : i32
    %dma_start3A_346 = arith.constant 0 : i32
    %dma_start3A_347 = arith.constant 0 : i32
    %dma_start3A_348 = tpu.memref_slice %arg5[%dma_start3A_345, %dma_start3A_346, %dma_start3A_347] : memref<2x200x128xi32, #tpu.memory_space<vmem>> -> memref<1x200x128xi32, #tpu.memory_space<vmem>>
    %dma_start3A_349 = tpu.memref_squeeze %dma_start3A_348 : memref<1x200x128xi32, #tpu.memory_space<vmem>> -> memref<200x128xi32, #tpu.memory_space<vmem>>
    %dma_start3A_350 = tpu.memref_slice %arg3[%mul3A_339, %mul3A_344] : memref<2600x16384xi32, #tpu.memory_space<hbm>> -> memref<200x128xi32, #tpu.memory_space<hbm>>
    %dma_start3A_351 = tpu.memref_slice %arg3[%mul3A_339, %mul3A_344] : memref<2600x16384xi32, #tpu.memory_space<hbm>> -> memref<200x128xi32, #tpu.memory_space<hbm>>
    %dma_start3A_352 = arith.constant 0 : i32
    %dma_start3A_353 = arith.constant 0 : i32
    %dma_start3A_354 = tpu.memref_slice %arg5[%dma_start3A_345, %dma_start3A_352, %dma_start3A_353] : memref<2x200x128xi32, #tpu.memory_space<vmem>> -> memref<1x200x128xi32, #tpu.memory_space<vmem>>
    %dma_start3A_355 = tpu.memref_squeeze %dma_start3A_354 : memref<1x200x128xi32, #tpu.memory_space<vmem>> -> memref<200x128xi32, #tpu.memory_space<vmem>>
    tpu.enqueue_dma source(%dma_start3A_355 : memref<200x128xi32, #tpu.memory_space<vmem>>) target(%dma_start3A_351 : memref<200x128xi32, #tpu.memory_space<hbm>>) target_semaphore(%arg6 : memref<!tpu.dma_semaphore, #tpu.memory_space<semaphore_mem>>)
    %shift_right_arithmetic3A_356 = arith.constant 1 : i32
    %shift_right_arithmetic3A_357 = arith.constant 2 : i32
    %shift_right_arithmetic3A_358 = arith.shrsi %shift_right_arithmetic3A_356, %shift_right_arithmetic3A_357 : i32
    %and3A_359 = arith.constant 1 : i32
    %and3A_360 = arith.constant 3 : i32
    %and3A_361 = arith.andi %and3A_359, %and3A_360 : i32
    %broadcast_in_dim3A_362 = arith.constant 1 : i32
    %broadcast_in_dim3A_363 = vector.broadcast %broadcast_in_dim3A_362 : i32 to vector<16xi32>
    %mul3A_364 = arith.constant 2 : i32
    %mul3A_365 = arith.muli %mul3A_364, %shift_right_arithmetic3A_358 : i32
    %add3A_366 = arith.constant 0 : i32
    %add3A_367 = arith.addi %mul3A_365, %add3A_366 : i32
    %broadcast_in_dim3A_368 = vector.broadcast %add3A_367 : i32 to vector<16xi32>
    %mul3A_369 = arith.constant 128 : i32
    %mul3A_370 = arith.muli %and3A_361, %mul3A_369 : i32
    %add3A_371 = arith.constant 0 : i32
    %add3A_372 = arith.addi %mul3A_370, %add3A_371 : i32
    %add3A_373 = vector.broadcast %add3A_372 : i32 to vector<16xi32>
    %add3A_374 = arith.addi %add3A_373, %iota3A : vector<16xi32>
    %gather3A_375 = tpu.vector_load_idx %arg4[%broadcast_in_dim3A_368, %add3A_374] : memref<26x512xi32, #tpu.memory_space<vmem>>[vector<16xi32>, vector<16xi32>], vector<16xi32>,
    %add3A_376 = arith.constant 0 : i32
    %add3A_377 = vector.broadcast %add3A_376 : i32 to vector<16xi32>
    %add3A_378 = arith.addi %add3A_377, %gather3A_375 : vector<16xi32>
    %add3A_379 = arith.constant 0 : i32
    %add3A_380 = vector.broadcast %add3A_379 : i32 to vector<16xi32>
    %add3A_381 = arith.addi %add3A_380, %iota3A : vector<16xi32>
    tpu.vector_store_idx %arg5[%broadcast_in_dim3A_363, %add3A_378, %add3A_381], %broadcast_in_dim3A_1 : memref<2x200x128xi32, #tpu.memory_space<vmem>>[vector<16xi32>, vector<16xi32>, vector<16xi32>], vector<16xi32>,
    %mul3A_382 = arith.constant 128 : i32
    %mul3A_383 = arith.muli %and3A_361, %mul3A_382 : i32
    %add3A_384 = arith.constant 16 : i32
    %add3A_385 = arith.addi %mul3A_383, %add3A_384 : i32
    %add3A_386 = vector.broadcast %add3A_385 : i32 to vector<16xi32>
    %add3A_387 = arith.addi %add3A_386, %iota3A : vector<16xi32>
    %gather3A_388 = tpu.vector_load_idx %arg4[%broadcast_in_dim3A_368, %add3A_387] : memref<26x512xi32, #tpu.memory_space<vmem>>[vector<16xi32>, vector<16xi32>], vector<16xi32>,
    %add3A_389 = arith.constant 0 : i32
    %add3A_390 = vector.broadcast %add3A_389 : i32 to vector<16xi32>
    %add3A_391 = arith.addi %add3A_390, %gather3A_388 : vector<16xi32>
    %add3A_392 = arith.constant 16 : i32
    %add3A_393 = vector.broadcast %add3A_392 : i32 to vector<16xi32>
    %add3A_394 = arith.addi %add3A_393, %iota3A : vector<16xi32>
    tpu.vector_store_idx %arg5[%broadcast_in_dim3A_363, %add3A_391, %add3A_394], %broadcast_in_dim3A_1 : memref<2x200x128xi32, #tpu.memory_space<vmem>>[vector<16xi32>, vector<16xi32>, vector<16xi32>], vector<16xi32>,
    %mul3A_395 = arith.constant 128 : i32
    %mul3A_396 = arith.muli %and3A_361, %mul3A_395 : i32
    %add3A_397 = arith.constant 32 : i32
    %add3A_398 = arith.addi %mul3A_396, %add3A_397 : i32
    %add3A_399 = vector.broadcast %add3A_398 : i32 to vector<16xi32>
    %add3A_400 = arith.addi %add3A_399, %iota3A : vector<16xi32>
    %gather3A_401 = tpu.vector_load_idx %arg4[%broadcast_in_dim3A_368, %add3A_400] : memref<26x512xi32, #tpu.memory_space<vmem>>[vector<16xi32>, vector<16xi32>], vector<16xi32>,
    %add3A_402 = arith.constant 0 : i32
    %add3A_403 = vector.broadcast %add3A_402 : i32 to vector<16xi32>
    %add3A_404 = arith.addi %add3A_403, %gather3A_401 : vector<16xi32>
    %add3A_405 = arith.constant 32 : i32
    %add3A_406 = vector.broadcast %add3A_405 : i32 to vector<16xi32>
    %add3A_407 = arith.addi %add3A_406, %iota3A : vector<16xi32>
    tpu.vector_store_idx %arg5[%broadcast_in_dim3A_363, %add3A_404, %add3A_407], %broadcast_in_dim3A_1 : memref<2x200x128xi32, #tpu.memory_space<vmem>>[vector<16xi32>, vector<16xi32>, vector<16xi32>], vector<16xi32>,
    %mul3A_408 = arith.constant 128 : i32
    %mul3A_409 = arith.muli %and3A_361, %mul3A_408 : i32
    %add3A_410 = arith.constant 48 : i32
    %add3A_411 = arith.addi %mul3A_409, %add3A_410 : i32
    %add3A_412 = vector.broadcast %add3A_411 : i32 to vector<16xi32>
    %add3A_413 = arith.addi %add3A_412, %iota3A : vector<16xi32>
    %gather3A_414 = tpu.vector_load_idx %arg4[%broadcast_in_dim3A_368, %add3A_413] : memref<26x512xi32, #tpu.memory_space<vmem>>[vector<16xi32>, vector<16xi32>], vector<16xi32>,
    %add3A_415 = arith.constant 0 : i32
    %add3A_416 = vector.broadcast %add3A_415 : i32 to vector<16xi32>
    %add3A_417 = arith.addi %add3A_416, %gather3A_414 : vector<16xi32>
    %add3A_418 = arith.constant 48 : i32
    %add3A_419 = vector.broadcast %add3A_418 : i32 to vector<16xi32>
    %add3A_420 = arith.addi %add3A_419, %iota3A : vector<16xi32>
    tpu.vector_store_idx %arg5[%broadcast_in_dim3A_363, %add3A_417, %add3A_420], %broadcast_in_dim3A_1 : memref<2x200x128xi32, #tpu.memory_space<vmem>>[vector<16xi32>, vector<16xi32>, vector<16xi32>], vector<16xi32>,
    %mul3A_421 = arith.constant 128 : i32
    %mul3A_422 = arith.muli %and3A_361, %mul3A_421 : i32
    %add3A_423 = arith.constant 64 : i32
    %add3A_424 = arith.addi %mul3A_422, %add3A_423 : i32
    %add3A_425 = vector.broadcast %add3A_424 : i32 to vector<16xi32>
    %add3A_426 = arith.addi %add3A_425, %iota3A : vector<16xi32>
    %gather3A_427 = tpu.vector_load_idx %arg4[%broadcast_in_dim3A_368, %add3A_426] : memref<26x512xi32, #tpu.memory_space<vmem>>[vector<16xi32>, vector<16xi32>], vector<16xi32>,
    %add3A_428 = arith.constant 0 : i32
    %add3A_429 = vector.broadcast %add3A_428 : i32 to vector<16xi32>
    %add3A_430 = arith.addi %add3A_429, %gather3A_427 : vector<16xi32>
    %add3A_431 = arith.constant 64 : i32
    %add3A_432 = vector.broadcast %add3A_431 : i32 to vector<16xi32>
    %add3A_433 = arith.addi %add3A_432, %iota3A : vector<16xi32>
    tpu.vector_store_idx %arg5[%broadcast_in_dim3A_363, %add3A_430, %add3A_433], %broadcast_in_dim3A_1 : memref<2x200x128xi32, #tpu.memory_space<vmem>>[vector<16xi32>, vector<16xi32>, vector<16xi32>], vector<16xi32>,
    %mul3A_434 = arith.constant 128 : i32
    %mul3A_435 = arith.muli %and3A_361, %mul3A_434 : i32
    %add3A_436 = arith.constant 80 : i32
    %add3A_437 = arith.addi %mul3A_435, %add3A_436 : i32
    %add3A_438 = vector.broadcast %add3A_437 : i32 to vector<16xi32>
    %add3A_439 = arith.addi %add3A_438, %iota3A : vector<16xi32>
    %gather3A_440 = tpu.vector_load_idx %arg4[%broadcast_in_dim3A_368, %add3A_439] : memref<26x512xi32, #tpu.memory_space<vmem>>[vector<16xi32>, vector<16xi32>], vector<16xi32>,
    %add3A_441 = arith.constant 0 : i32
    %add3A_442 = vector.broadcast %add3A_441 : i32 to vector<16xi32>
    %add3A_443 = arith.addi %add3A_442, %gather3A_440 : vector<16xi32>
    %add3A_444 = arith.constant 80 : i32
    %add3A_445 = vector.broadcast %add3A_444 : i32 to vector<16xi32>
    %add3A_446 = arith.addi %add3A_445, %iota3A : vector<16xi32>
    tpu.vector_store_idx %arg5[%broadcast_in_dim3A_363, %add3A_443, %add3A_446], %broadcast_in_dim3A_1 : memref<2x200x128xi32, #tpu.memory_space<vmem>>[vector<16xi32>, vector<16xi32>, vector<16xi32>], vector<16xi32>,
    %mul3A_447 = arith.constant 128 : i32
    %mul3A_448 = arith.muli %and3A_361, %mul3A_447 : i32
    %add3A_449 = arith.constant 96 : i32
    %add3A_450 = arith.addi %mul3A_448, %add3A_449 : i32
    %add3A_451 = vector.broadcast %add3A_450 : i32 to vector<16xi32>
    %add3A_452 = arith.addi %add3A_451, %iota3A : vector<16xi32>
    %gather3A_453 = tpu.vector_load_idx %arg4[%broadcast_in_dim3A_368, %add3A_452] : memref<26x512xi32, #tpu.memory_space<vmem>>[vector<16xi32>, vector<16xi32>], vector<16xi32>,
    %add3A_454 = arith.constant 0 : i32
    %add3A_455 = vector.broadcast %add3A_454 : i32 to vector<16xi32>
    %add3A_456 = arith.addi %add3A_455, %gather3A_453 : vector<16xi32>
    %add3A_457 = arith.constant 96 : i32
    %add3A_458 = vector.broadcast %add3A_457 : i32 to vector<16xi32>
    %add3A_459 = arith.addi %add3A_458, %iota3A : vector<16xi32>
    tpu.vector_store_idx %arg5[%broadcast_in_dim3A_363, %add3A_456, %add3A_459], %broadcast_in_dim3A_1 : memref<2x200x128xi32, #tpu.memory_space<vmem>>[vector<16xi32>, vector<16xi32>, vector<16xi32>], vector<16xi32>,
    %mul3A_460 = arith.constant 128 : i32
    %mul3A_461 = arith.muli %and3A_361, %mul3A_460 : i32
    %add3A_462 = arith.constant 112 : i32
    %add3A_463 = arith.addi %mul3A_461, %add3A_462 : i32
    %add3A_464 = vector.broadcast %add3A_463 : i32 to vector<16xi32>
    %add3A_465 = arith.addi %add3A_464, %iota3A : vector<16xi32>
    %gather3A_466 = tpu.vector_load_idx %arg4[%broadcast_in_dim3A_368, %add3A_465] : memref<26x512xi32, #tpu.memory_space<vmem>>[vector<16xi32>, vector<16xi32>], vector<16xi32>,
    %add3A_467 = arith.constant 0 : i32
    %add3A_468 = vector.broadcast %add3A_467 : i32 to vector<16xi32>
    %add3A_469 = arith.addi %add3A_468, %gather3A_466 : vector<16xi32>
    %add3A_470 = arith.constant 112 : i32
    %add3A_471 = vector.broadcast %add3A_470 : i32 to vector<16xi32>
    %add3A_472 = arith.addi %add3A_471, %iota3A : vector<16xi32>
    tpu.vector_store_idx %arg5[%broadcast_in_dim3A_363, %add3A_469, %add3A_472], %broadcast_in_dim3A_1 : memref<2x200x128xi32, #tpu.memory_space<vmem>>[vector<16xi32>, vector<16xi32>, vector<16xi32>], vector<16xi32>,
    %mul3A_473 = arith.constant 2 : i32
    %mul3A_474 = arith.muli %mul3A_473, %shift_right_arithmetic3A_358 : i32
    %add3A_475 = arith.constant 1 : i32
    %add3A_476 = arith.addi %mul3A_474, %add3A_475 : i32
    %broadcast_in_dim3A_477 = vector.broadcast %add3A_476 : i32 to vector<16xi32>
    %mul3A_478 = arith.constant 128 : i32
    %mul3A_479 = arith.muli %and3A_361, %mul3A_478 : i32
    %add3A_480 = arith.constant 0 : i32
    %add3A_481 = arith.addi %mul3A_479, %add3A_480 : i32
    %add3A_482 = vector.broadcast %add3A_481 : i32 to vector<16xi32>
    %add3A_483 = arith.addi %add3A_482, %iota3A : vector<16xi32>
    %gather3A_484 = tpu.vector_load_idx %arg4[%broadcast_in_dim3A_477, %add3A_483] : memref<26x512xi32, #tpu.memory_space<vmem>>[vector<16xi32>, vector<16xi32>], vector<16xi32>,
    %add3A_485 = arith.constant 100 : i32
    %add3A_486 = vector.broadcast %add3A_485 : i32 to vector<16xi32>
    %add3A_487 = arith.addi %add3A_486, %gather3A_484 : vector<16xi32>
    %add3A_488 = arith.constant 0 : i32
    %add3A_489 = vector.broadcast %add3A_488 : i32 to vector<16xi32>
    %add3A_490 = arith.addi %add3A_489, %iota3A : vector<16xi32>
    tpu.vector_store_idx %arg5[%broadcast_in_dim3A_363, %add3A_487, %add3A_490], %broadcast_in_dim3A_1 : memref<2x200x128xi32, #tpu.memory_space<vmem>>[vector<16xi32>, vector<16xi32>, vector<16xi32>], vector<16xi32>,
    %mul3A_491 = arith.constant 128 : i32
    %mul3A_492 = arith.muli %and3A_361, %mul3A_491 : i32
    %add3A_493 = arith.constant 16 : i32
    %add3A_494 = arith.addi %mul3A_492, %add3A_493 : i32
    %add3A_495 = vector.broadcast %add3A_494 : i32 to vector<16xi32>
    %add3A_496 = arith.addi %add3A_495, %iota3A : vector<16xi32>
    %gather3A_497 = tpu.vector_load_idx %arg4[%broadcast_in_dim3A_477, %add3A_496] : memref<26x512xi32, #tpu.memory_space<vmem>>[vector<16xi32>, vector<16xi32>], vector<16xi32>,
    %add3A_498 = arith.constant 100 : i32
    %add3A_499 = vector.broadcast %add3A_498 : i32 to vector<16xi32>
    %add3A_500 = arith.addi %add3A_499, %gather3A_497 : vector<16xi32>
    %add3A_501 = arith.constant 16 : i32
    %add3A_502 = vector.broadcast %add3A_501 : i32 to vector<16xi32>
    %add3A_503 = arith.addi %add3A_502, %iota3A : vector<16xi32>
    tpu.vector_store_idx %arg5[%broadcast_in_dim3A_363, %add3A_500, %add3A_503], %broadcast_in_dim3A_1 : memref<2x200x128xi32, #tpu.memory_space<vmem>>[vector<16xi32>, vector<16xi32>, vector<16xi32>], vector<16xi32>,
    %mul3A_504 = arith.constant 128 : i32
    %mul3A_505 = arith.muli %and3A_361, %mul3A_504 : i32
    %add3A_506 = arith.constant 32 : i32
    %add3A_507 = arith.addi %mul3A_505, %add3A_506 : i32
    %add3A_508 = vector.broadcast %add3A_507 : i32 to vector<16xi32>
    %add3A_509 = arith.addi %add3A_508, %iota3A : vector<16xi32>
    %gather3A_510 = tpu.vector_load_idx %arg4[%broadcast_in_dim3A_477, %add3A_509] : memref<26x512xi32, #tpu.memory_space<vmem>>[vector<16xi32>, vector<16xi32>], vector<16xi32>,
    %add3A_511 = arith.constant 100 : i32
    %add3A_512 = vector.broadcast %add3A_511 : i32 to vector<16xi32>
    %add3A_513 = arith.addi %add3A_512, %gather3A_510 : vector<16xi32>
    %add3A_514 = arith.constant 32 : i32
    %add3A_515 = vector.broadcast %add3A_514 : i32 to vector<16xi32>
    %add3A_516 = arith.addi %add3A_515, %iota3A : vector<16xi32>
    tpu.vector_store_idx %arg5[%broadcast_in_dim3A_363, %add3A_513, %add3A_516], %broadcast_in_dim3A_1 : memref<2x200x128xi32, #tpu.memory_space<vmem>>[vector<16xi32>, vector<16xi32>, vector<16xi32>], vector<16xi32>,
    %mul3A_517 = arith.constant 128 : i32
    %mul3A_518 = arith.muli %and3A_361, %mul3A_517 : i32
    %add3A_519 = arith.constant 48 : i32
    %add3A_520 = arith.addi %mul3A_518, %add3A_519 : i32
    %add3A_521 = vector.broadcast %add3A_520 : i32 to vector<16xi32>
    %add3A_522 = arith.addi %add3A_521, %iota3A : vector<16xi32>
    %gather3A_523 = tpu.vector_load_idx %arg4[%broadcast_in_dim3A_477, %add3A_522] : memref<26x512xi32, #tpu.memory_space<vmem>>[vector<16xi32>, vector<16xi32>], vector<16xi32>,
    %add3A_524 = arith.constant 100 : i32
    %add3A_525 = vector.broadcast %add3A_524 : i32 to vector<16xi32>
    %add3A_526 = arith.addi %add3A_525, %gather3A_523 : vector<16xi32>
    %add3A_527 = arith.constant 48 : i32
    %add3A_528 = vector.broadcast %add3A_527 : i32 to vector<16xi32>
    %add3A_529 = arith.addi %add3A_528, %iota3A : vector<16xi32>
    tpu.vector_store_idx %arg5[%broadcast_in_dim3A_363, %add3A_526, %add3A_529], %broadcast_in_dim3A_1 : memref<2x200x128xi32, #tpu.memory_space<vmem>>[vector<16xi32>, vector<16xi32>, vector<16xi32>], vector<16xi32>,
    %mul3A_530 = arith.constant 128 : i32
    %mul3A_531 = arith.muli %and3A_361, %mul3A_530 : i32
    %add3A_532 = arith.constant 64 : i32
    %add3A_533 = arith.addi %mul3A_531, %add3A_532 : i32
    %add3A_534 = vector.broadcast %add3A_533 : i32 to vector<16xi32>
    %add3A_535 = arith.addi %add3A_534, %iota3A : vector<16xi32>
    %gather3A_536 = tpu.vector_load_idx %arg4[%broadcast_in_dim3A_477, %add3A_535] : memref<26x512xi32, #tpu.memory_space<vmem>>[vector<16xi32>, vector<16xi32>], vector<16xi32>,
    %add3A_537 = arith.constant 100 : i32
    %add3A_538 = vector.broadcast %add3A_537 : i32 to vector<16xi32>
    %add3A_539 = arith.addi %add3A_538, %gather3A_536 : vector<16xi32>
    %add3A_540 = arith.constant 64 : i32
    %add3A_541 = vector.broadcast %add3A_540 : i32 to vector<16xi32>
    %add3A_542 = arith.addi %add3A_541, %iota3A : vector<16xi32>
    tpu.vector_store_idx %arg5[%broadcast_in_dim3A_363, %add3A_539, %add3A_542], %broadcast_in_dim3A_1 : memref<2x200x128xi32, #tpu.memory_space<vmem>>[vector<16xi32>, vector<16xi32>, vector<16xi32>], vector<16xi32>,
    %mul3A_543 = arith.constant 128 : i32
    %mul3A_544 = arith.muli %and3A_361, %mul3A_543 : i32
    %add3A_545 = arith.constant 80 : i32
    %add3A_546 = arith.addi %mul3A_544, %add3A_545 : i32
    %add3A_547 = vector.broadcast %add3A_546 : i32 to vector<16xi32>
    %add3A_548 = arith.addi %add3A_547, %iota3A : vector<16xi32>
    %gather3A_549 = tpu.vector_load_idx %arg4[%broadcast_in_dim3A_477, %add3A_548] : memref<26x512xi32, #tpu.memory_space<vmem>>[vector<16xi32>, vector<16xi32>], vector<16xi32>,
    %add3A_550 = arith.constant 100 : i32
    %add3A_551 = vector.broadcast %add3A_550 : i32 to vector<16xi32>
    %add3A_552 = arith.addi %add3A_551, %gather3A_549 : vector<16xi32>
    %add3A_553 = arith.constant 80 : i32
    %add3A_554 = vector.broadcast %add3A_553 : i32 to vector<16xi32>
    %add3A_555 = arith.addi %add3A_554, %iota3A : vector<16xi32>
    tpu.vector_store_idx %arg5[%broadcast_in_dim3A_363, %add3A_552, %add3A_555], %broadcast_in_dim3A_1 : memref<2x200x128xi32, #tpu.memory_space<vmem>>[vector<16xi32>, vector<16xi32>, vector<16xi32>], vector<16xi32>,
    %mul3A_556 = arith.constant 128 : i32
    %mul3A_557 = arith.muli %and3A_361, %mul3A_556 : i32
    %add3A_558 = arith.constant 96 : i32
    %add3A_559 = arith.addi %mul3A_557, %add3A_558 : i32
    %add3A_560 = vector.broadcast %add3A_559 : i32 to vector<16xi32>
    %add3A_561 = arith.addi %add3A_560, %iota3A : vector<16xi32>
    %gather3A_562 = tpu.vector_load_idx %arg4[%broadcast_in_dim3A_477, %add3A_561] : memref<26x512xi32, #tpu.memory_space<vmem>>[vector<16xi32>, vector<16xi32>], vector<16xi32>,
    %add3A_563 = arith.constant 100 : i32
    %add3A_564 = vector.broadcast %add3A_563 : i32 to vector<16xi32>
    %add3A_565 = arith.addi %add3A_564, %gather3A_562 : vector<16xi32>
    %add3A_566 = arith.constant 96 : i32
    %add3A_567 = vector.broadcast %add3A_566 : i32 to vector<16xi32>
    %add3A_568 = arith.addi %add3A_567, %iota3A : vector<16xi32>
    tpu.vector_store_idx %arg5[%broadcast_in_dim3A_363, %add3A_565, %add3A_568], %broadcast_in_dim3A_1 : memref<2x200x128xi32, #tpu.memory_space<vmem>>[vector<16xi32>, vector<16xi32>, vector<16xi32>], vector<16xi32>,
    %mul3A_569 = arith.constant 128 : i32
    %mul3A_570 = arith.muli %and3A_361, %mul3A_569 : i32
    %add3A_571 = arith.constant 112 : i32
    %add3A_572 = arith.addi %mul3A_570, %add3A_571 : i32
    %add3A_573 = vector.broadcast %add3A_572 : i32 to vector<16xi32>
    %add3A_574 = arith.addi %add3A_573, %iota3A : vector<16xi32>
    %gather3A_575 = tpu.vector_load_idx %arg4[%broadcast_in_dim3A_477, %add3A_574] : memref<26x512xi32, #tpu.memory_space<vmem>>[vector<16xi32>, vector<16xi32>], vector<16xi32>,
    %add3A_576 = arith.constant 100 : i32
    %add3A_577 = vector.broadcast %add3A_576 : i32 to vector<16xi32>
    %add3A_578 = arith.addi %add3A_577, %gather3A_575 : vector<16xi32>
    %add3A_579 = arith.constant 112 : i32
    %add3A_580 = vector.broadcast %add3A_579 : i32 to vector<16xi32>
    %add3A_581 = arith.addi %add3A_580, %iota3A : vector<16xi32>
    tpu.vector_store_idx %arg5[%broadcast_in_dim3A_363, %add3A_578, %add3A_581], %broadcast_in_dim3A_1 : memref<2x200x128xi32, #tpu.memory_space<vmem>>[vector<16xi32>, vector<16xi32>, vector<16xi32>], vector<16xi32>,
    %shift_right_arithmetic3A_582 = arith.constant 1 : i32
    %shift_right_arithmetic3A_583 = arith.constant 2 : i32
    %shift_right_arithmetic3A_584 = arith.shrsi %shift_right_arithmetic3A_582, %shift_right_arithmetic3A_583 : i32
    %and3A_585 = arith.constant 1 : i32
    %and3A_586 = arith.constant 3 : i32
    %and3A_587 = arith.andi %and3A_585, %and3A_586 : i32
    %mul3A_588 = arith.constant 200 : i32
    %mul3A_589 = arith.muli %shift_right_arithmetic3A_584, %mul3A_588 : i32
    %mul3A_590 = arith.constant 32 : i32
    %mul3A_591 = arith.muli %and3A_587, %mul3A_590 : i32
    %add3A_592 = arith.addi %mul3A_591, %add3A : i32
    %mul3A_593 = arith.constant 128 : i32
    %mul3A_594 = arith.muli %add3A_592, %mul3A_593 : i32
    %dma_start3A_595 = arith.constant 1 : i32
    %dma_start3A_596 = arith.constant 0 : i32
    %dma_start3A_597 = arith.constant 0 : i32
    %dma_start3A_598 = tpu.memref_slice %arg5[%dma_start3A_595, %dma_start3A_596, %dma_start3A_597] : memref<2x200x128xi32, #tpu.memory_space<vmem>> -> memref<1x200x128xi32, #tpu.memory_space<vmem>>
    %dma_start3A_599 = tpu.memref_squeeze %dma_start3A_598 : memref<1x200x128xi32, #tpu.memory_space<vmem>> -> memref<200x128xi32, #tpu.memory_space<vmem>>
    %dma_start3A_600 = tpu.memref_slice %arg3[%mul3A_589, %mul3A_594] : memref<2600x16384xi32, #tpu.memory_space<hbm>> -> memref<200x128xi32, #tpu.memory_space<hbm>>
    %dma_start3A_601 = tpu.memref_slice %arg3[%mul3A_589, %mul3A_594] : memref<2600x16384xi32, #tpu.memory_space<hbm>> -> memref<200x128xi32, #tpu.memory_space<hbm>>
    %dma_start3A_602 = arith.constant 0 : i32
    %dma_start3A_603 = arith.constant 0 : i32
    %dma_start3A_604 = tpu.memref_slice %arg5[%dma_start3A_595, %dma_start3A_602, %dma_start3A_603] : memref<2x200x128xi32, #tpu.memory_space<vmem>> -> memref<1x200x128xi32, #tpu.memory_space<vmem>>
    %dma_start3A_605 = tpu.memref_squeeze %dma_start3A_604 : memref<1x200x128xi32, #tpu.memory_space<vmem>> -> memref<200x128xi32, #tpu.memory_space<vmem>>
    tpu.enqueue_dma source(%dma_start3A_605 : memref<200x128xi32, #tpu.memory_space<vmem>>) target(%dma_start3A_601 : memref<200x128xi32, #tpu.memory_space<hbm>>) target_semaphore(%arg7 : memref<!tpu.dma_semaphore, #tpu.memory_space<semaphore_mem>>)
    %scan3A_606 = arith.constant 0 : i32
    %scan3A_607 = arith.constant 1 : i32
    %scan3A_608 = arith.constant 25 : i32
    %scan3A_609 = arith.addi %scan3A_607, %scan3A_608 : i32
    %scan3A_610 = arith.constant 1 : i32
    scf.for %scan3A_642 = %scan3A_607 to %scan3A_609 step %scan3A_610  : i32 {
      %mul3A_643 = arith.constant 2 : i32
      %mul3A_644 = arith.muli %scan3A_642, %mul3A_643 : i32
      %add3A_645 = arith.constant 0 : i32
      %add3A_646 = arith.addi %mul3A_644, %add3A_645 : i32
      %dma_wait3A_647 = arith.constant 0 : i32
      %dma_wait3A_648 = arith.constant 0 : i32
      %dma_wait3A_649 = arith.constant 0 : i32
      %dma_wait3A_650 = tpu.memref_slice %arg5[%dma_wait3A_647, %dma_wait3A_648, %dma_wait3A_649] : memref<2x200x128xi32, #tpu.memory_space<vmem>> -> memref<1x200x128xi32, #tpu.memory_space<vmem>>
      %dma_wait3A_651 = tpu.memref_squeeze %dma_wait3A_650 : memref<1x200x128xi32, #tpu.memory_space<vmem>> -> memref<200x128xi32, #tpu.memory_space<vmem>>
      %dma_wait3A_652 = arith.constant 0 : i32
      %dma_wait3A_653 = arith.constant 0 : i32
      %dma_wait3A_654 = tpu.memref_slice %arg3[%dma_wait3A_652, %dma_wait3A_653] : memref<2600x16384xi32, #tpu.memory_space<hbm>> -> memref<200x128xi32, #tpu.memory_space<hbm>>
      %dma_wait3A_655 = arith.constant 0 : i32
      %dma_wait3A_656 = arith.constant 0 : i32
      %dma_wait3A_657 = tpu.memref_slice %arg3[%dma_wait3A_655, %dma_wait3A_656] : memref<2600x16384xi32, #tpu.memory_space<hbm>> -> memref<200x128xi32, #tpu.memory_space<hbm>>
      %dma_wait3A_658 = arith.constant 0 : i32
      %dma_wait3A_659 = arith.constant 0 : i32
      %dma_wait3A_660 = tpu.memref_slice %arg5[%dma_wait3A_647, %dma_wait3A_658, %dma_wait3A_659] : memref<2x200x128xi32, #tpu.memory_space<vmem>> -> memref<1x200x128xi32, #tpu.memory_space<vmem>>
      %dma_wait3A_661 = tpu.memref_squeeze %dma_wait3A_660 : memref<1x200x128xi32, #tpu.memory_space<vmem>> -> memref<200x128xi32, #tpu.memory_space<vmem>>
      tpu.wait_dma2 semaphore(%arg6 : memref<!tpu.dma_semaphore, #tpu.memory_space<semaphore_mem>>) src(%dma_wait3A_661 : memref<200x128xi32, #tpu.memory_space<vmem>>) dst(%dma_wait3A_657 : memref<200x128xi32, #tpu.memory_space<hbm>>)
      %sub3A = arith.constant 2 : i32
      %sub3A_662 = arith.subi %add3A_646, %sub3A : i32
      %shift_right_arithmetic3A_663 = arith.constant 2 : i32
      %shift_right_arithmetic3A_664 = arith.shrsi %sub3A_662, %shift_right_arithmetic3A_663 : i32
      %and3A_665 = arith.constant 3 : i32
      %and3A_666 = arith.andi %sub3A_662, %and3A_665 : i32
      %broadcast_in_dim3A_667 = arith.constant 0 : i32
      %broadcast_in_dim3A_668 = vector.broadcast %broadcast_in_dim3A_667 : i32 to vector<16xi32>
      %mul3A_669 = arith.constant 2 : i32
      %mul3A_670 = arith.muli %mul3A_669, %shift_right_arithmetic3A_664 : i32
      %add3A_671 = arith.constant 0 : i32
      %add3A_672 = arith.addi %mul3A_670, %add3A_671 : i32
      %broadcast_in_dim3A_673 = vector.broadcast %add3A_672 : i32 to vector<16xi32>
      %mul3A_674 = arith.constant 128 : i32
      %mul3A_675 = arith.muli %and3A_666, %mul3A_674 : i32
      %add3A_676 = arith.constant 0 : i32
      %add3A_677 = arith.addi %mul3A_675, %add3A_676 : i32
      %add3A_678 = vector.broadcast %add3A_677 : i32 to vector<16xi32>
      %add3A_679 = arith.addi %add3A_678, %iota3A : vector<16xi32>
      %gather3A_680 = tpu.vector_load_idx %arg4[%broadcast_in_dim3A_673, %add3A_679] : memref<26x512xi32, #tpu.memory_space<vmem>>[vector<16xi32>, vector<16xi32>], vector<16xi32>,
      %add3A_681 = arith.constant 0 : i32
      %add3A_682 = vector.broadcast %add3A_681 : i32 to vector<16xi32>
      %add3A_683 = arith.addi %add3A_682, %gather3A_680 : vector<16xi32>
      %add3A_684 = arith.constant 0 : i32
      %add3A_685 = vector.broadcast %add3A_684 : i32 to vector<16xi32>
      %add3A_686 = arith.addi %add3A_685, %iota3A : vector<16xi32>
      tpu.vector_store_idx %arg5[%broadcast_in_dim3A_668, %add3A_683, %add3A_686], %broadcast_in_dim3A_3 : memref<2x200x128xi32, #tpu.memory_space<vmem>>[vector<16xi32>, vector<16xi32>, vector<16xi32>], vector<16xi32>,
      %mul3A_687 = arith.constant 128 : i32
      %mul3A_688 = arith.muli %and3A_666, %mul3A_687 : i32
      %add3A_689 = arith.constant 16 : i32
      %add3A_690 = arith.addi %mul3A_688, %add3A_689 : i32
      %add3A_691 = vector.broadcast %add3A_690 : i32 to vector<16xi32>
      %add3A_692 = arith.addi %add3A_691, %iota3A : vector<16xi32>
      %gather3A_693 = tpu.vector_load_idx %arg4[%broadcast_in_dim3A_673, %add3A_692] : memref<26x512xi32, #tpu.memory_space<vmem>>[vector<16xi32>, vector<16xi32>], vector<16xi32>,
      %add3A_694 = arith.constant 0 : i32
      %add3A_695 = vector.broadcast %add3A_694 : i32 to vector<16xi32>
      %add3A_696 = arith.addi %add3A_695, %gather3A_693 : vector<16xi32>
      %add3A_697 = arith.constant 16 : i32
      %add3A_698 = vector.broadcast %add3A_697 : i32 to vector<16xi32>
      %add3A_699 = arith.addi %add3A_698, %iota3A : vector<16xi32>
      tpu.vector_store_idx %arg5[%broadcast_in_dim3A_668, %add3A_696, %add3A_699], %broadcast_in_dim3A_3 : memref<2x200x128xi32, #tpu.memory_space<vmem>>[vector<16xi32>, vector<16xi32>, vector<16xi32>], vector<16xi32>,
      %mul3A_700 = arith.constant 128 : i32
      %mul3A_701 = arith.muli %and3A_666, %mul3A_700 : i32
      %add3A_702 = arith.constant 32 : i32
      %add3A_703 = arith.addi %mul3A_701, %add3A_702 : i32
      %add3A_704 = vector.broadcast %add3A_703 : i32 to vector<16xi32>
      %add3A_705 = arith.addi %add3A_704, %iota3A : vector<16xi32>
      %gather3A_706 = tpu.vector_load_idx %arg4[%broadcast_in_dim3A_673, %add3A_705] : memref<26x512xi32, #tpu.memory_space<vmem>>[vector<16xi32>, vector<16xi32>], vector<16xi32>,
      %add3A_707 = arith.constant 0 : i32
      %add3A_708 = vector.broadcast %add3A_707 : i32 to vector<16xi32>
      %add3A_709 = arith.addi %add3A_708, %gather3A_706 : vector<16xi32>
      %add3A_710 = arith.constant 32 : i32
      %add3A_711 = vector.broadcast %add3A_710 : i32 to vector<16xi32>
      %add3A_712 = arith.addi %add3A_711, %iota3A : vector<16xi32>
      tpu.vector_store_idx %arg5[%broadcast_in_dim3A_668, %add3A_709, %add3A_712], %broadcast_in_dim3A_3 : memref<2x200x128xi32, #tpu.memory_space<vmem>>[vector<16xi32>, vector<16xi32>, vector<16xi32>], vector<16xi32>,
      %mul3A_713 = arith.constant 128 : i32
      %mul3A_714 = arith.muli %and3A_666, %mul3A_713 : i32
      %add3A_715 = arith.constant 48 : i32
      %add3A_716 = arith.addi %mul3A_714, %add3A_715 : i32
      %add3A_717 = vector.broadcast %add3A_716 : i32 to vector<16xi32>
      %add3A_718 = arith.addi %add3A_717, %iota3A : vector<16xi32>
      %gather3A_719 = tpu.vector_load_idx %arg4[%broadcast_in_dim3A_673, %add3A_718] : memref<26x512xi32, #tpu.memory_space<vmem>>[vector<16xi32>, vector<16xi32>], vector<16xi32>,
      %add3A_720 = arith.constant 0 : i32
      %add3A_721 = vector.broadcast %add3A_720 : i32 to vector<16xi32>
      %add3A_722 = arith.addi %add3A_721, %gather3A_719 : vector<16xi32>
      %add3A_723 = arith.constant 48 : i32
      %add3A_724 = vector.broadcast %add3A_723 : i32 to vector<16xi32>
      %add3A_725 = arith.addi %add3A_724, %iota3A : vector<16xi32>
      tpu.vector_store_idx %arg5[%broadcast_in_dim3A_668, %add3A_722, %add3A_725], %broadcast_in_dim3A_3 : memref<2x200x128xi32, #tpu.memory_space<vmem>>[vector<16xi32>, vector<16xi32>, vector<16xi32>], vector<16xi32>,
      %mul3A_726 = arith.constant 128 : i32
      %mul3A_727 = arith.muli %and3A_666, %mul3A_726 : i32
      %add3A_728 = arith.constant 64 : i32
      %add3A_729 = arith.addi %mul3A_727, %add3A_728 : i32
      %add3A_730 = vector.broadcast %add3A_729 : i32 to vector<16xi32>
      %add3A_731 = arith.addi %add3A_730, %iota3A : vector<16xi32>
      %gather3A_732 = tpu.vector_load_idx %arg4[%broadcast_in_dim3A_673, %add3A_731] : memref<26x512xi32, #tpu.memory_space<vmem>>[vector<16xi32>, vector<16xi32>], vector<16xi32>,
      %add3A_733 = arith.constant 0 : i32
      %add3A_734 = vector.broadcast %add3A_733 : i32 to vector<16xi32>
      %add3A_735 = arith.addi %add3A_734, %gather3A_732 : vector<16xi32>
      %add3A_736 = arith.constant 64 : i32
      %add3A_737 = vector.broadcast %add3A_736 : i32 to vector<16xi32>
      %add3A_738 = arith.addi %add3A_737, %iota3A : vector<16xi32>
      tpu.vector_store_idx %arg5[%broadcast_in_dim3A_668, %add3A_735, %add3A_738], %broadcast_in_dim3A_3 : memref<2x200x128xi32, #tpu.memory_space<vmem>>[vector<16xi32>, vector<16xi32>, vector<16xi32>], vector<16xi32>,
      %mul3A_739 = arith.constant 128 : i32
      %mul3A_740 = arith.muli %and3A_666, %mul3A_739 : i32
      %add3A_741 = arith.constant 80 : i32
      %add3A_742 = arith.addi %mul3A_740, %add3A_741 : i32
      %add3A_743 = vector.broadcast %add3A_742 : i32 to vector<16xi32>
      %add3A_744 = arith.addi %add3A_743, %iota3A : vector<16xi32>
      %gather3A_745 = tpu.vector_load_idx %arg4[%broadcast_in_dim3A_673, %add3A_744] : memref<26x512xi32, #tpu.memory_space<vmem>>[vector<16xi32>, vector<16xi32>], vector<16xi32>,
      %add3A_746 = arith.constant 0 : i32
      %add3A_747 = vector.broadcast %add3A_746 : i32 to vector<16xi32>
      %add3A_748 = arith.addi %add3A_747, %gather3A_745 : vector<16xi32>
      %add3A_749 = arith.constant 80 : i32
      %add3A_750 = vector.broadcast %add3A_749 : i32 to vector<16xi32>
      %add3A_751 = arith.addi %add3A_750, %iota3A : vector<16xi32>
      tpu.vector_store_idx %arg5[%broadcast_in_dim3A_668, %add3A_748, %add3A_751], %broadcast_in_dim3A_3 : memref<2x200x128xi32, #tpu.memory_space<vmem>>[vector<16xi32>, vector<16xi32>, vector<16xi32>], vector<16xi32>,
      %mul3A_752 = arith.constant 128 : i32
      %mul3A_753 = arith.muli %and3A_666, %mul3A_752 : i32
      %add3A_754 = arith.constant 96 : i32
      %add3A_755 = arith.addi %mul3A_753, %add3A_754 : i32
      %add3A_756 = vector.broadcast %add3A_755 : i32 to vector<16xi32>
      %add3A_757 = arith.addi %add3A_756, %iota3A : vector<16xi32>
      %gather3A_758 = tpu.vector_load_idx %arg4[%broadcast_in_dim3A_673, %add3A_757] : memref<26x512xi32, #tpu.memory_space<vmem>>[vector<16xi32>, vector<16xi32>], vector<16xi32>,
      %add3A_759 = arith.constant 0 : i32
      %add3A_760 = vector.broadcast %add3A_759 : i32 to vector<16xi32>
      %add3A_761 = arith.addi %add3A_760, %gather3A_758 : vector<16xi32>
      %add3A_762 = arith.constant 96 : i32
      %add3A_763 = vector.broadcast %add3A_762 : i32 to vector<16xi32>
      %add3A_764 = arith.addi %add3A_763, %iota3A : vector<16xi32>
      tpu.vector_store_idx %arg5[%broadcast_in_dim3A_668, %add3A_761, %add3A_764], %broadcast_in_dim3A_3 : memref<2x200x128xi32, #tpu.memory_space<vmem>>[vector<16xi32>, vector<16xi32>, vector<16xi32>], vector<16xi32>,
      %mul3A_765 = arith.constant 128 : i32
      %mul3A_766 = arith.muli %and3A_666, %mul3A_765 : i32
      %add3A_767 = arith.constant 112 : i32
      %add3A_768 = arith.addi %mul3A_766, %add3A_767 : i32
      %add3A_769 = vector.broadcast %add3A_768 : i32 to vector<16xi32>
      %add3A_770 = arith.addi %add3A_769, %iota3A : vector<16xi32>
      %gather3A_771 = tpu.vector_load_idx %arg4[%broadcast_in_dim3A_673, %add3A_770] : memref<26x512xi32, #tpu.memory_space<vmem>>[vector<16xi32>, vector<16xi32>], vector<16xi32>,
      %add3A_772 = arith.constant 0 : i32
      %add3A_773 = vector.broadcast %add3A_772 : i32 to vector<16xi32>
      %add3A_774 = arith.addi %add3A_773, %gather3A_771 : vector<16xi32>
      %add3A_775 = arith.constant 112 : i32
      %add3A_776 = vector.broadcast %add3A_775 : i32 to vector<16xi32>
      %add3A_777 = arith.addi %add3A_776, %iota3A : vector<16xi32>
      tpu.vector_store_idx %arg5[%broadcast_in_dim3A_668, %add3A_774, %add3A_777], %broadcast_in_dim3A_3 : memref<2x200x128xi32, #tpu.memory_space<vmem>>[vector<16xi32>, vector<16xi32>, vector<16xi32>], vector<16xi32>,
      %mul3A_778 = arith.constant 2 : i32
      %mul3A_779 = arith.muli %mul3A_778, %shift_right_arithmetic3A_664 : i32
      %add3A_780 = arith.constant 1 : i32
      %add3A_781 = arith.addi %mul3A_779, %add3A_780 : i32
      %broadcast_in_dim3A_782 = vector.broadcast %add3A_781 : i32 to vector<16xi32>
      %mul3A_783 = arith.constant 128 : i32
      %mul3A_784 = arith.muli %and3A_666, %mul3A_783 : i32
      %add3A_785 = arith.constant 0 : i32
      %add3A_786 = arith.addi %mul3A_784, %add3A_785 : i32
      %add3A_787 = vector.broadcast %add3A_786 : i32 to vector<16xi32>
      %add3A_788 = arith.addi %add3A_787, %iota3A : vector<16xi32>
      %gather3A_789 = tpu.vector_load_idx %arg4[%broadcast_in_dim3A_782, %add3A_788] : memref<26x512xi32, #tpu.memory_space<vmem>>[vector<16xi32>, vector<16xi32>], vector<16xi32>,
      %add3A_790 = arith.constant 100 : i32
      %add3A_791 = vector.broadcast %add3A_790 : i32 to vector<16xi32>
      %add3A_792 = arith.addi %add3A_791, %gather3A_789 : vector<16xi32>
      %add3A_793 = arith.constant 0 : i32
      %add3A_794 = vector.broadcast %add3A_793 : i32 to vector<16xi32>
      %add3A_795 = arith.addi %add3A_794, %iota3A : vector<16xi32>
      tpu.vector_store_idx %arg5[%broadcast_in_dim3A_668, %add3A_792, %add3A_795], %broadcast_in_dim3A_3 : memref<2x200x128xi32, #tpu.memory_space<vmem>>[vector<16xi32>, vector<16xi32>, vector<16xi32>], vector<16xi32>,
      %mul3A_796 = arith.constant 128 : i32
      %mul3A_797 = arith.muli %and3A_666, %mul3A_796 : i32
      %add3A_798 = arith.constant 16 : i32
      %add3A_799 = arith.addi %mul3A_797, %add3A_798 : i32
      %add3A_800 = vector.broadcast %add3A_799 : i32 to vector<16xi32>
      %add3A_801 = arith.addi %add3A_800, %iota3A : vector<16xi32>
      %gather3A_802 = tpu.vector_load_idx %arg4[%broadcast_in_dim3A_782, %add3A_801] : memref<26x512xi32, #tpu.memory_space<vmem>>[vector<16xi32>, vector<16xi32>], vector<16xi32>,
      %add3A_803 = arith.constant 100 : i32
      %add3A_804 = vector.broadcast %add3A_803 : i32 to vector<16xi32>
      %add3A_805 = arith.addi %add3A_804, %gather3A_802 : vector<16xi32>
      %add3A_806 = arith.constant 16 : i32
      %add3A_807 = vector.broadcast %add3A_806 : i32 to vector<16xi32>
      %add3A_808 = arith.addi %add3A_807, %iota3A : vector<16xi32>
      tpu.vector_store_idx %arg5[%broadcast_in_dim3A_668, %add3A_805, %add3A_808], %broadcast_in_dim3A_3 : memref<2x200x128xi32, #tpu.memory_space<vmem>>[vector<16xi32>, vector<16xi32>, vector<16xi32>], vector<16xi32>,
      %mul3A_809 = arith.constant 128 : i32
      %mul3A_810 = arith.muli %and3A_666, %mul3A_809 : i32
      %add3A_811 = arith.constant 32 : i32
      %add3A_812 = arith.addi %mul3A_810, %add3A_811 : i32
      %add3A_813 = vector.broadcast %add3A_812 : i32 to vector<16xi32>
      %add3A_814 = arith.addi %add3A_813, %iota3A : vector<16xi32>
      %gather3A_815 = tpu.vector_load_idx %arg4[%broadcast_in_dim3A_782, %add3A_814] : memref<26x512xi32, #tpu.memory_space<vmem>>[vector<16xi32>, vector<16xi32>], vector<16xi32>,
      %add3A_816 = arith.constant 100 : i32
      %add3A_817 = vector.broadcast %add3A_816 : i32 to vector<16xi32>
      %add3A_818 = arith.addi %add3A_817, %gather3A_815 : vector<16xi32>
      %add3A_819 = arith.constant 32 : i32
      %add3A_820 = vector.broadcast %add3A_819 : i32 to vector<16xi32>
      %add3A_821 = arith.addi %add3A_820, %iota3A : vector<16xi32>
      tpu.vector_store_idx %arg5[%broadcast_in_dim3A_668, %add3A_818, %add3A_821], %broadcast_in_dim3A_3 : memref<2x200x128xi32, #tpu.memory_space<vmem>>[vector<16xi32>, vector<16xi32>, vector<16xi32>], vector<16xi32>,
      %mul3A_822 = arith.constant 128 : i32
      %mul3A_823 = arith.muli %and3A_666, %mul3A_822 : i32
      %add3A_824 = arith.constant 48 : i32
      %add3A_825 = arith.addi %mul3A_823, %add3A_824 : i32
      %add3A_826 = vector.broadcast %add3A_825 : i32 to vector<16xi32>
      %add3A_827 = arith.addi %add3A_826, %iota3A : vector<16xi32>
      %gather3A_828 = tpu.vector_load_idx %arg4[%broadcast_in_dim3A_782, %add3A_827] : memref<26x512xi32, #tpu.memory_space<vmem>>[vector<16xi32>, vector<16xi32>], vector<16xi32>,
      %add3A_829 = arith.constant 100 : i32
      %add3A_830 = vector.broadcast %add3A_829 : i32 to vector<16xi32>
      %add3A_831 = arith.addi %add3A_830, %gather3A_828 : vector<16xi32>
      %add3A_832 = arith.constant 48 : i32
      %add3A_833 = vector.broadcast %add3A_832 : i32 to vector<16xi32>
      %add3A_834 = arith.addi %add3A_833, %iota3A : vector<16xi32>
      tpu.vector_store_idx %arg5[%broadcast_in_dim3A_668, %add3A_831, %add3A_834], %broadcast_in_dim3A_3 : memref<2x200x128xi32, #tpu.memory_space<vmem>>[vector<16xi32>, vector<16xi32>, vector<16xi32>], vector<16xi32>,
      %mul3A_835 = arith.constant 128 : i32
      %mul3A_836 = arith.muli %and3A_666, %mul3A_835 : i32
      %add3A_837 = arith.constant 64 : i32
      %add3A_838 = arith.addi %mul3A_836, %add3A_837 : i32
      %add3A_839 = vector.broadcast %add3A_838 : i32 to vector<16xi32>
      %add3A_840 = arith.addi %add3A_839, %iota3A : vector<16xi32>
      %gather3A_841 = tpu.vector_load_idx %arg4[%broadcast_in_dim3A_782, %add3A_840] : memref<26x512xi32, #tpu.memory_space<vmem>>[vector<16xi32>, vector<16xi32>], vector<16xi32>,
      %add3A_842 = arith.constant 100 : i32
      %add3A_843 = vector.broadcast %add3A_842 : i32 to vector<16xi32>
      %add3A_844 = arith.addi %add3A_843, %gather3A_841 : vector<16xi32>
      %add3A_845 = arith.constant 64 : i32
      %add3A_846 = vector.broadcast %add3A_845 : i32 to vector<16xi32>
      %add3A_847 = arith.addi %add3A_846, %iota3A : vector<16xi32>
      tpu.vector_store_idx %arg5[%broadcast_in_dim3A_668, %add3A_844, %add3A_847], %broadcast_in_dim3A_3 : memref<2x200x128xi32, #tpu.memory_space<vmem>>[vector<16xi32>, vector<16xi32>, vector<16xi32>], vector<16xi32>,
      %mul3A_848 = arith.constant 128 : i32
      %mul3A_849 = arith.muli %and3A_666, %mul3A_848 : i32
      %add3A_850 = arith.constant 80 : i32
      %add3A_851 = arith.addi %mul3A_849, %add3A_850 : i32
      %add3A_852 = vector.broadcast %add3A_851 : i32 to vector<16xi32>
      %add3A_853 = arith.addi %add3A_852, %iota3A : vector<16xi32>
      %gather3A_854 = tpu.vector_load_idx %arg4[%broadcast_in_dim3A_782, %add3A_853] : memref<26x512xi32, #tpu.memory_space<vmem>>[vector<16xi32>, vector<16xi32>], vector<16xi32>,
      %add3A_855 = arith.constant 100 : i32
      %add3A_856 = vector.broadcast %add3A_855 : i32 to vector<16xi32>
      %add3A_857 = arith.addi %add3A_856, %gather3A_854 : vector<16xi32>
      %add3A_858 = arith.constant 80 : i32
      %add3A_859 = vector.broadcast %add3A_858 : i32 to vector<16xi32>
      %add3A_860 = arith.addi %add3A_859, %iota3A : vector<16xi32>
      tpu.vector_store_idx %arg5[%broadcast_in_dim3A_668, %add3A_857, %add3A_860], %broadcast_in_dim3A_3 : memref<2x200x128xi32, #tpu.memory_space<vmem>>[vector<16xi32>, vector<16xi32>, vector<16xi32>], vector<16xi32>,
      %mul3A_861 = arith.constant 128 : i32
      %mul3A_862 = arith.muli %and3A_666, %mul3A_861 : i32
      %add3A_863 = arith.constant 96 : i32
      %add3A_864 = arith.addi %mul3A_862, %add3A_863 : i32
      %add3A_865 = vector.broadcast %add3A_864 : i32 to vector<16xi32>
      %add3A_866 = arith.addi %add3A_865, %iota3A : vector<16xi32>
      %gather3A_867 = tpu.vector_load_idx %arg4[%broadcast_in_dim3A_782, %add3A_866] : memref<26x512xi32, #tpu.memory_space<vmem>>[vector<16xi32>, vector<16xi32>], vector<16xi32>,
      %add3A_868 = arith.constant 100 : i32
      %add3A_869 = vector.broadcast %add3A_868 : i32 to vector<16xi32>
      %add3A_870 = arith.addi %add3A_869, %gather3A_867 : vector<16xi32>
      %add3A_871 = arith.constant 96 : i32
      %add3A_872 = vector.broadcast %add3A_871 : i32 to vector<16xi32>
      %add3A_873 = arith.addi %add3A_872, %iota3A : vector<16xi32>
      tpu.vector_store_idx %arg5[%broadcast_in_dim3A_668, %add3A_870, %add3A_873], %broadcast_in_dim3A_3 : memref<2x200x128xi32, #tpu.memory_space<vmem>>[vector<16xi32>, vector<16xi32>, vector<16xi32>], vector<16xi32>,
      %mul3A_874 = arith.constant 128 : i32
      %mul3A_875 = arith.muli %and3A_666, %mul3A_874 : i32
      %add3A_876 = arith.constant 112 : i32
      %add3A_877 = arith.addi %mul3A_875, %add3A_876 : i32
      %add3A_878 = vector.broadcast %add3A_877 : i32 to vector<16xi32>
      %add3A_879 = arith.addi %add3A_878, %iota3A : vector<16xi32>
      %gather3A_880 = tpu.vector_load_idx %arg4[%broadcast_in_dim3A_782, %add3A_879] : memref<26x512xi32, #tpu.memory_space<vmem>>[vector<16xi32>, vector<16xi32>], vector<16xi32>,
      %add3A_881 = arith.constant 100 : i32
      %add3A_882 = vector.broadcast %add3A_881 : i32 to vector<16xi32>
      %add3A_883 = arith.addi %add3A_882, %gather3A_880 : vector<16xi32>
      %add3A_884 = arith.constant 112 : i32
      %add3A_885 = vector.broadcast %add3A_884 : i32 to vector<16xi32>
      %add3A_886 = arith.addi %add3A_885, %iota3A : vector<16xi32>
      tpu.vector_store_idx %arg5[%broadcast_in_dim3A_668, %add3A_883, %add3A_886], %broadcast_in_dim3A_3 : memref<2x200x128xi32, #tpu.memory_space<vmem>>[vector<16xi32>, vector<16xi32>, vector<16xi32>], vector<16xi32>,
      %shift_right_arithmetic3A_887 = arith.constant 2 : i32
      %shift_right_arithmetic3A_888 = arith.shrsi %add3A_646, %shift_right_arithmetic3A_887 : i32
      %and3A_889 = arith.constant 3 : i32
      %and3A_890 = arith.andi %add3A_646, %and3A_889 : i32
      %broadcast_in_dim3A_891 = arith.constant 0 : i32
      %broadcast_in_dim3A_892 = vector.broadcast %broadcast_in_dim3A_891 : i32 to vector<16xi32>
      %mul3A_893 = arith.constant 2 : i32
      %mul3A_894 = arith.muli %mul3A_893, %shift_right_arithmetic3A_888 : i32
      %add3A_895 = arith.constant 0 : i32
      %add3A_896 = arith.addi %mul3A_894, %add3A_895 : i32
      %broadcast_in_dim3A_897 = vector.broadcast %add3A_896 : i32 to vector<16xi32>
      %mul3A_898 = arith.constant 128 : i32
      %mul3A_899 = arith.muli %and3A_890, %mul3A_898 : i32
      %add3A_900 = arith.constant 0 : i32
      %add3A_901 = arith.addi %mul3A_899, %add3A_900 : i32
      %add3A_902 = vector.broadcast %add3A_901 : i32 to vector<16xi32>
      %add3A_903 = arith.addi %add3A_902, %iota3A : vector<16xi32>
      %gather3A_904 = tpu.vector_load_idx %arg4[%broadcast_in_dim3A_897, %add3A_903] : memref<26x512xi32, #tpu.memory_space<vmem>>[vector<16xi32>, vector<16xi32>], vector<16xi32>,
      %add3A_905 = arith.constant 0 : i32
      %add3A_906 = vector.broadcast %add3A_905 : i32 to vector<16xi32>
      %add3A_907 = arith.addi %add3A_906, %gather3A_904 : vector<16xi32>
      %add3A_908 = arith.constant 0 : i32
      %add3A_909 = vector.broadcast %add3A_908 : i32 to vector<16xi32>
      %add3A_910 = arith.addi %add3A_909, %iota3A : vector<16xi32>
      tpu.vector_store_idx %arg5[%broadcast_in_dim3A_892, %add3A_907, %add3A_910], %broadcast_in_dim3A_1 : memref<2x200x128xi32, #tpu.memory_space<vmem>>[vector<16xi32>, vector<16xi32>, vector<16xi32>], vector<16xi32>,
      %mul3A_911 = arith.constant 128 : i32
      %mul3A_912 = arith.muli %and3A_890, %mul3A_911 : i32
      %add3A_913 = arith.constant 16 : i32
      %add3A_914 = arith.addi %mul3A_912, %add3A_913 : i32
      %add3A_915 = vector.broadcast %add3A_914 : i32 to vector<16xi32>
      %add3A_916 = arith.addi %add3A_915, %iota3A : vector<16xi32>
      %gather3A_917 = tpu.vector_load_idx %arg4[%broadcast_in_dim3A_897, %add3A_916] : memref<26x512xi32, #tpu.memory_space<vmem>>[vector<16xi32>, vector<16xi32>], vector<16xi32>,
      %add3A_918 = arith.constant 0 : i32
      %add3A_919 = vector.broadcast %add3A_918 : i32 to vector<16xi32>
      %add3A_920 = arith.addi %add3A_919, %gather3A_917 : vector<16xi32>
      %add3A_921 = arith.constant 16 : i32
      %add3A_922 = vector.broadcast %add3A_921 : i32 to vector<16xi32>
      %add3A_923 = arith.addi %add3A_922, %iota3A : vector<16xi32>
      tpu.vector_store_idx %arg5[%broadcast_in_dim3A_892, %add3A_920, %add3A_923], %broadcast_in_dim3A_1 : memref<2x200x128xi32, #tpu.memory_space<vmem>>[vector<16xi32>, vector<16xi32>, vector<16xi32>], vector<16xi32>,
      %mul3A_924 = arith.constant 128 : i32
      %mul3A_925 = arith.muli %and3A_890, %mul3A_924 : i32
      %add3A_926 = arith.constant 32 : i32
      %add3A_927 = arith.addi %mul3A_925, %add3A_926 : i32
      %add3A_928 = vector.broadcast %add3A_927 : i32 to vector<16xi32>
      %add3A_929 = arith.addi %add3A_928, %iota3A : vector<16xi32>
      %gather3A_930 = tpu.vector_load_idx %arg4[%broadcast_in_dim3A_897, %add3A_929] : memref<26x512xi32, #tpu.memory_space<vmem>>[vector<16xi32>, vector<16xi32>], vector<16xi32>,
      %add3A_931 = arith.constant 0 : i32
      %add3A_932 = vector.broadcast %add3A_931 : i32 to vector<16xi32>
      %add3A_933 = arith.addi %add3A_932, %gather3A_930 : vector<16xi32>
      %add3A_934 = arith.constant 32 : i32
      %add3A_935 = vector.broadcast %add3A_934 : i32 to vector<16xi32>
      %add3A_936 = arith.addi %add3A_935, %iota3A : vector<16xi32>
      tpu.vector_store_idx %arg5[%broadcast_in_dim3A_892, %add3A_933, %add3A_936], %broadcast_in_dim3A_1 : memref<2x200x128xi32, #tpu.memory_space<vmem>>[vector<16xi32>, vector<16xi32>, vector<16xi32>], vector<16xi32>,
      %mul3A_937 = arith.constant 128 : i32
      %mul3A_938 = arith.muli %and3A_890, %mul3A_937 : i32
      %add3A_939 = arith.constant 48 : i32
      %add3A_940 = arith.addi %mul3A_938, %add3A_939 : i32
      %add3A_941 = vector.broadcast %add3A_940 : i32 to vector<16xi32>
      %add3A_942 = arith.addi %add3A_941, %iota3A : vector<16xi32>
      %gather3A_943 = tpu.vector_load_idx %arg4[%broadcast_in_dim3A_897, %add3A_942] : memref<26x512xi32, #tpu.memory_space<vmem>>[vector<16xi32>, vector<16xi32>], vector<16xi32>,
      %add3A_944 = arith.constant 0 : i32
      %add3A_945 = vector.broadcast %add3A_944 : i32 to vector<16xi32>
      %add3A_946 = arith.addi %add3A_945, %gather3A_943 : vector<16xi32>
      %add3A_947 = arith.constant 48 : i32
      %add3A_948 = vector.broadcast %add3A_947 : i32 to vector<16xi32>
      %add3A_949 = arith.addi %add3A_948, %iota3A : vector<16xi32>
      tpu.vector_store_idx %arg5[%broadcast_in_dim3A_892, %add3A_946, %add3A_949], %broadcast_in_dim3A_1 : memref<2x200x128xi32, #tpu.memory_space<vmem>>[vector<16xi32>, vector<16xi32>, vector<16xi32>], vector<16xi32>,
      %mul3A_950 = arith.constant 128 : i32
      %mul3A_951 = arith.muli %and3A_890, %mul3A_950 : i32
      %add3A_952 = arith.constant 64 : i32
      %add3A_953 = arith.addi %mul3A_951, %add3A_952 : i32
      %add3A_954 = vector.broadcast %add3A_953 : i32 to vector<16xi32>
      %add3A_955 = arith.addi %add3A_954, %iota3A : vector<16xi32>
      %gather3A_956 = tpu.vector_load_idx %arg4[%broadcast_in_dim3A_897, %add3A_955] : memref<26x512xi32, #tpu.memory_space<vmem>>[vector<16xi32>, vector<16xi32>], vector<16xi32>,
      %add3A_957 = arith.constant 0 : i32
      %add3A_958 = vector.broadcast %add3A_957 : i32 to vector<16xi32>
      %add3A_959 = arith.addi %add3A_958, %gather3A_956 : vector<16xi32>
      %add3A_960 = arith.constant 64 : i32
      %add3A_961 = vector.broadcast %add3A_960 : i32 to vector<16xi32>
      %add3A_962 = arith.addi %add3A_961, %iota3A : vector<16xi32>
      tpu.vector_store_idx %arg5[%broadcast_in_dim3A_892, %add3A_959, %add3A_962], %broadcast_in_dim3A_1 : memref<2x200x128xi32, #tpu.memory_space<vmem>>[vector<16xi32>, vector<16xi32>, vector<16xi32>], vector<16xi32>,
      %mul3A_963 = arith.constant 128 : i32
      %mul3A_964 = arith.muli %and3A_890, %mul3A_963 : i32
      %add3A_965 = arith.constant 80 : i32
      %add3A_966 = arith.addi %mul3A_964, %add3A_965 : i32
      %add3A_967 = vector.broadcast %add3A_966 : i32 to vector<16xi32>
      %add3A_968 = arith.addi %add3A_967, %iota3A : vector<16xi32>
      %gather3A_969 = tpu.vector_load_idx %arg4[%broadcast_in_dim3A_897, %add3A_968] : memref<26x512xi32, #tpu.memory_space<vmem>>[vector<16xi32>, vector<16xi32>], vector<16xi32>,
      %add3A_970 = arith.constant 0 : i32
      %add3A_971 = vector.broadcast %add3A_970 : i32 to vector<16xi32>
      %add3A_972 = arith.addi %add3A_971, %gather3A_969 : vector<16xi32>
      %add3A_973 = arith.constant 80 : i32
      %add3A_974 = vector.broadcast %add3A_973 : i32 to vector<16xi32>
      %add3A_975 = arith.addi %add3A_974, %iota3A : vector<16xi32>
      tpu.vector_store_idx %arg5[%broadcast_in_dim3A_892, %add3A_972, %add3A_975], %broadcast_in_dim3A_1 : memref<2x200x128xi32, #tpu.memory_space<vmem>>[vector<16xi32>, vector<16xi32>, vector<16xi32>], vector<16xi32>,
      %mul3A_976 = arith.constant 128 : i32
      %mul3A_977 = arith.muli %and3A_890, %mul3A_976 : i32
      %add3A_978 = arith.constant 96 : i32
      %add3A_979 = arith.addi %mul3A_977, %add3A_978 : i32
      %add3A_980 = vector.broadcast %add3A_979 : i32 to vector<16xi32>
      %add3A_981 = arith.addi %add3A_980, %iota3A : vector<16xi32>
      %gather3A_982 = tpu.vector_load_idx %arg4[%broadcast_in_dim3A_897, %add3A_981] : memref<26x512xi32, #tpu.memory_space<vmem>>[vector<16xi32>, vector<16xi32>], vector<16xi32>,
      %add3A_983 = arith.constant 0 : i32
      %add3A_984 = vector.broadcast %add3A_983 : i32 to vector<16xi32>
      %add3A_985 = arith.addi %add3A_984, %gather3A_982 : vector<16xi32>
      %add3A_986 = arith.constant 96 : i32
      %add3A_987 = vector.broadcast %add3A_986 : i32 to vector<16xi32>
      %add3A_988 = arith.addi %add3A_987, %iota3A : vector<16xi32>
      tpu.vector_store_idx %arg5[%broadcast_in_dim3A_892, %add3A_985, %add3A_988], %broadcast_in_dim3A_1 : memref<2x200x128xi32, #tpu.memory_space<vmem>>[vector<16xi32>, vector<16xi32>, vector<16xi32>], vector<16xi32>,
      %mul3A_989 = arith.constant 128 : i32
      %mul3A_990 = arith.muli %and3A_890, %mul3A_989 : i32
      %add3A_991 = arith.constant 112 : i32
      %add3A_992 = arith.addi %mul3A_990, %add3A_991 : i32
      %add3A_993 = vector.broadcast %add3A_992 : i32 to vector<16xi32>
      %add3A_994 = arith.addi %add3A_993, %iota3A : vector<16xi32>
      %gather3A_995 = tpu.vector_load_idx %arg4[%broadcast_in_dim3A_897, %add3A_994] : memref<26x512xi32, #tpu.memory_space<vmem>>[vector<16xi32>, vector<16xi32>], vector<16xi32>,
      %add3A_996 = arith.constant 0 : i32
      %add3A_997 = vector.broadcast %add3A_996 : i32 to vector<16xi32>
      %add3A_998 = arith.addi %add3A_997, %gather3A_995 : vector<16xi32>
      %add3A_999 = arith.constant 112 : i32
      %add3A_1000 = vector.broadcast %add3A_999 : i32 to vector<16xi32>
      %add3A_1001 = arith.addi %add3A_1000, %iota3A : vector<16xi32>
      tpu.vector_store_idx %arg5[%broadcast_in_dim3A_892, %add3A_998, %add3A_1001], %broadcast_in_dim3A_1 : memref<2x200x128xi32, #tpu.memory_space<vmem>>[vector<16xi32>, vector<16xi32>, vector<16xi32>], vector<16xi32>,
      %mul3A_1002 = arith.constant 2 : i32
      %mul3A_1003 = arith.muli %mul3A_1002, %shift_right_arithmetic3A_888 : i32
      %add3A_1004 = arith.constant 1 : i32
      %add3A_1005 = arith.addi %mul3A_1003, %add3A_1004 : i32
      %broadcast_in_dim3A_1006 = vector.broadcast %add3A_1005 : i32 to vector<16xi32>
      %mul3A_1007 = arith.constant 128 : i32
      %mul3A_1008 = arith.muli %and3A_890, %mul3A_1007 : i32
      %add3A_1009 = arith.constant 0 : i32
      %add3A_1010 = arith.addi %mul3A_1008, %add3A_1009 : i32
      %add3A_1011 = vector.broadcast %add3A_1010 : i32 to vector<16xi32>
      %add3A_1012 = arith.addi %add3A_1011, %iota3A : vector<16xi32>
      %gather3A_1013 = tpu.vector_load_idx %arg4[%broadcast_in_dim3A_1006, %add3A_1012] : memref<26x512xi32, #tpu.memory_space<vmem>>[vector<16xi32>, vector<16xi32>], vector<16xi32>,
      %add3A_1014 = arith.constant 100 : i32
      %add3A_1015 = vector.broadcast %add3A_1014 : i32 to vector<16xi32>
      %add3A_1016 = arith.addi %add3A_1015, %gather3A_1013 : vector<16xi32>
      %add3A_1017 = arith.constant 0 : i32
      %add3A_1018 = vector.broadcast %add3A_1017 : i32 to vector<16xi32>
      %add3A_1019 = arith.addi %add3A_1018, %iota3A : vector<16xi32>
      tpu.vector_store_idx %arg5[%broadcast_in_dim3A_892, %add3A_1016, %add3A_1019], %broadcast_in_dim3A_1 : memref<2x200x128xi32, #tpu.memory_space<vmem>>[vector<16xi32>, vector<16xi32>, vector<16xi32>], vector<16xi32>,
      %mul3A_1020 = arith.constant 128 : i32
      %mul3A_1021 = arith.muli %and3A_890, %mul3A_1020 : i32
      %add3A_1022 = arith.constant 16 : i32
      %add3A_1023 = arith.addi %mul3A_1021, %add3A_1022 : i32
      %add3A_1024 = vector.broadcast %add3A_1023 : i32 to vector<16xi32>
      %add3A_1025 = arith.addi %add3A_1024, %iota3A : vector<16xi32>
      %gather3A_1026 = tpu.vector_load_idx %arg4[%broadcast_in_dim3A_1006, %add3A_1025] : memref<26x512xi32, #tpu.memory_space<vmem>>[vector<16xi32>, vector<16xi32>], vector<16xi32>,
      %add3A_1027 = arith.constant 100 : i32
      %add3A_1028 = vector.broadcast %add3A_1027 : i32 to vector<16xi32>
      %add3A_1029 = arith.addi %add3A_1028, %gather3A_1026 : vector<16xi32>
      %add3A_1030 = arith.constant 16 : i32
      %add3A_1031 = vector.broadcast %add3A_1030 : i32 to vector<16xi32>
      %add3A_1032 = arith.addi %add3A_1031, %iota3A : vector<16xi32>
      tpu.vector_store_idx %arg5[%broadcast_in_dim3A_892, %add3A_1029, %add3A_1032], %broadcast_in_dim3A_1 : memref<2x200x128xi32, #tpu.memory_space<vmem>>[vector<16xi32>, vector<16xi32>, vector<16xi32>], vector<16xi32>,
      %mul3A_1033 = arith.constant 128 : i32
      %mul3A_1034 = arith.muli %and3A_890, %mul3A_1033 : i32
      %add3A_1035 = arith.constant 32 : i32
      %add3A_1036 = arith.addi %mul3A_1034, %add3A_1035 : i32
      %add3A_1037 = vector.broadcast %add3A_1036 : i32 to vector<16xi32>
      %add3A_1038 = arith.addi %add3A_1037, %iota3A : vector<16xi32>
      %gather3A_1039 = tpu.vector_load_idx %arg4[%broadcast_in_dim3A_1006, %add3A_1038] : memref<26x512xi32, #tpu.memory_space<vmem>>[vector<16xi32>, vector<16xi32>], vector<16xi32>,
      %add3A_1040 = arith.constant 100 : i32
      %add3A_1041 = vector.broadcast %add3A_1040 : i32 to vector<16xi32>
      %add3A_1042 = arith.addi %add3A_1041, %gather3A_1039 : vector<16xi32>
      %add3A_1043 = arith.constant 32 : i32
      %add3A_1044 = vector.broadcast %add3A_1043 : i32 to vector<16xi32>
      %add3A_1045 = arith.addi %add3A_1044, %iota3A : vector<16xi32>
      tpu.vector_store_idx %arg5[%broadcast_in_dim3A_892, %add3A_1042, %add3A_1045], %broadcast_in_dim3A_1 : memref<2x200x128xi32, #tpu.memory_space<vmem>>[vector<16xi32>, vector<16xi32>, vector<16xi32>], vector<16xi32>,
      %mul3A_1046 = arith.constant 128 : i32
      %mul3A_1047 = arith.muli %and3A_890, %mul3A_1046 : i32
      %add3A_1048 = arith.constant 48 : i32
      %add3A_1049 = arith.addi %mul3A_1047, %add3A_1048 : i32
      %add3A_1050 = vector.broadcast %add3A_1049 : i32 to vector<16xi32>
      %add3A_1051 = arith.addi %add3A_1050, %iota3A : vector<16xi32>
      %gather3A_1052 = tpu.vector_load_idx %arg4[%broadcast_in_dim3A_1006, %add3A_1051] : memref<26x512xi32, #tpu.memory_space<vmem>>[vector<16xi32>, vector<16xi32>], vector<16xi32>,
      %add3A_1053 = arith.constant 100 : i32
      %add3A_1054 = vector.broadcast %add3A_1053 : i32 to vector<16xi32>
      %add3A_1055 = arith.addi %add3A_1054, %gather3A_1052 : vector<16xi32>
      %add3A_1056 = arith.constant 48 : i32
      %add3A_1057 = vector.broadcast %add3A_1056 : i32 to vector<16xi32>
      %add3A_1058 = arith.addi %add3A_1057, %iota3A : vector<16xi32>
      tpu.vector_store_idx %arg5[%broadcast_in_dim3A_892, %add3A_1055, %add3A_1058], %broadcast_in_dim3A_1 : memref<2x200x128xi32, #tpu.memory_space<vmem>>[vector<16xi32>, vector<16xi32>, vector<16xi32>], vector<16xi32>,
      %mul3A_1059 = arith.constant 128 : i32
      %mul3A_1060 = arith.muli %and3A_890, %mul3A_1059 : i32
      %add3A_1061 = arith.constant 64 : i32
      %add3A_1062 = arith.addi %mul3A_1060, %add3A_1061 : i32
      %add3A_1063 = vector.broadcast %add3A_1062 : i32 to vector<16xi32>
      %add3A_1064 = arith.addi %add3A_1063, %iota3A : vector<16xi32>
      %gather3A_1065 = tpu.vector_load_idx %arg4[%broadcast_in_dim3A_1006, %add3A_1064] : memref<26x512xi32, #tpu.memory_space<vmem>>[vector<16xi32>, vector<16xi32>], vector<16xi32>,
      %add3A_1066 = arith.constant 100 : i32
      %add3A_1067 = vector.broadcast %add3A_1066 : i32 to vector<16xi32>
      %add3A_1068 = arith.addi %add3A_1067, %gather3A_1065 : vector<16xi32>
      %add3A_1069 = arith.constant 64 : i32
      %add3A_1070 = vector.broadcast %add3A_1069 : i32 to vector<16xi32>
      %add3A_1071 = arith.addi %add3A_1070, %iota3A : vector<16xi32>
      tpu.vector_store_idx %arg5[%broadcast_in_dim3A_892, %add3A_1068, %add3A_1071], %broadcast_in_dim3A_1 : memref<2x200x128xi32, #tpu.memory_space<vmem>>[vector<16xi32>, vector<16xi32>, vector<16xi32>], vector<16xi32>,
      %mul3A_1072 = arith.constant 128 : i32
      %mul3A_1073 = arith.muli %and3A_890, %mul3A_1072 : i32
      %add3A_1074 = arith.constant 80 : i32
      %add3A_1075 = arith.addi %mul3A_1073, %add3A_1074 : i32
      %add3A_1076 = vector.broadcast %add3A_1075 : i32 to vector<16xi32>
      %add3A_1077 = arith.addi %add3A_1076, %iota3A : vector<16xi32>
      %gather3A_1078 = tpu.vector_load_idx %arg4[%broadcast_in_dim3A_1006, %add3A_1077] : memref<26x512xi32, #tpu.memory_space<vmem>>[vector<16xi32>, vector<16xi32>], vector<16xi32>,
      %add3A_1079 = arith.constant 100 : i32
      %add3A_1080 = vector.broadcast %add3A_1079 : i32 to vector<16xi32>
      %add3A_1081 = arith.addi %add3A_1080, %gather3A_1078 : vector<16xi32>
      %add3A_1082 = arith.constant 80 : i32
      %add3A_1083 = vector.broadcast %add3A_1082 : i32 to vector<16xi32>
      %add3A_1084 = arith.addi %add3A_1083, %iota3A : vector<16xi32>
      tpu.vector_store_idx %arg5[%broadcast_in_dim3A_892, %add3A_1081, %add3A_1084], %broadcast_in_dim3A_1 : memref<2x200x128xi32, #tpu.memory_space<vmem>>[vector<16xi32>, vector<16xi32>, vector<16xi32>], vector<16xi32>,
      %mul3A_1085 = arith.constant 128 : i32
      %mul3A_1086 = arith.muli %and3A_890, %mul3A_1085 : i32
      %add3A_1087 = arith.constant 96 : i32
      %add3A_1088 = arith.addi %mul3A_1086, %add3A_1087 : i32
      %add3A_1089 = vector.broadcast %add3A_1088 : i32 to vector<16xi32>
      %add3A_1090 = arith.addi %add3A_1089, %iota3A : vector<16xi32>
      %gather3A_1091 = tpu.vector_load_idx %arg4[%broadcast_in_dim3A_1006, %add3A_1090] : memref<26x512xi32, #tpu.memory_space<vmem>>[vector<16xi32>, vector<16xi32>], vector<16xi32>,
      %add3A_1092 = arith.constant 100 : i32
      %add3A_1093 = vector.broadcast %add3A_1092 : i32 to vector<16xi32>
      %add3A_1094 = arith.addi %add3A_1093, %gather3A_1091 : vector<16xi32>
      %add3A_1095 = arith.constant 96 : i32
      %add3A_1096 = vector.broadcast %add3A_1095 : i32 to vector<16xi32>
      %add3A_1097 = arith.addi %add3A_1096, %iota3A : vector<16xi32>
      tpu.vector_store_idx %arg5[%broadcast_in_dim3A_892, %add3A_1094, %add3A_1097], %broadcast_in_dim3A_1 : memref<2x200x128xi32, #tpu.memory_space<vmem>>[vector<16xi32>, vector<16xi32>, vector<16xi32>], vector<16xi32>,
      %mul3A_1098 = arith.constant 128 : i32
      %mul3A_1099 = arith.muli %and3A_890, %mul3A_1098 : i32
      %add3A_1100 = arith.constant 112 : i32
      %add3A_1101 = arith.addi %mul3A_1099, %add3A_1100 : i32
      %add3A_1102 = vector.broadcast %add3A_1101 : i32 to vector<16xi32>
      %add3A_1103 = arith.addi %add3A_1102, %iota3A : vector<16xi32>
      %gather3A_1104 = tpu.vector_load_idx %arg4[%broadcast_in_dim3A_1006, %add3A_1103] : memref<26x512xi32, #tpu.memory_space<vmem>>[vector<16xi32>, vector<16xi32>], vector<16xi32>,
      %add3A_1105 = arith.constant 100 : i32
      %add3A_1106 = vector.broadcast %add3A_1105 : i32 to vector<16xi32>
      %add3A_1107 = arith.addi %add3A_1106, %gather3A_1104 : vector<16xi32>
      %add3A_1108 = arith.constant 112 : i32
      %add3A_1109 = vector.broadcast %add3A_1108 : i32 to vector<16xi32>
      %add3A_1110 = arith.addi %add3A_1109, %iota3A : vector<16xi32>
      tpu.vector_store_idx %arg5[%broadcast_in_dim3A_892, %add3A_1107, %add3A_1110], %broadcast_in_dim3A_1 : memref<2x200x128xi32, #tpu.memory_space<vmem>>[vector<16xi32>, vector<16xi32>, vector<16xi32>], vector<16xi32>,
      %shift_right_arithmetic3A_1111 = arith.constant 2 : i32
      %shift_right_arithmetic3A_1112 = arith.shrsi %add3A_646, %shift_right_arithmetic3A_1111 : i32
      %and3A_1113 = arith.constant 3 : i32
      %and3A_1114 = arith.andi %add3A_646, %and3A_1113 : i32
      %mul3A_1115 = arith.constant 200 : i32
      %mul3A_1116 = arith.muli %shift_right_arithmetic3A_1112, %mul3A_1115 : i32
      %mul3A_1117 = arith.constant 32 : i32
      %mul3A_1118 = arith.muli %and3A_1114, %mul3A_1117 : i32
      %add3A_1119 = arith.addi %mul3A_1118, %add3A : i32
      %mul3A_1120 = arith.constant 128 : i32
      %mul3A_1121 = arith.muli %add3A_1119, %mul3A_1120 : i32
      %dma_start3A_1122 = arith.constant 0 : i32
      %dma_start3A_1123 = arith.constant 0 : i32
      %dma_start3A_1124 = arith.constant 0 : i32
      %dma_start3A_1125 = tpu.memref_slice %arg5[%dma_start3A_1122, %dma_start3A_1123, %dma_start3A_1124] : memref<2x200x128xi32, #tpu.memory_space<vmem>> -> memref<1x200x128xi32, #tpu.memory_space<vmem>>
      %dma_start3A_1126 = tpu.memref_squeeze %dma_start3A_1125 : memref<1x200x128xi32, #tpu.memory_space<vmem>> -> memref<200x128xi32, #tpu.memory_space<vmem>>
      %dma_start3A_1127 = tpu.memref_slice %arg3[%mul3A_1116, %mul3A_1121] : memref<2600x16384xi32, #tpu.memory_space<hbm>> -> memref<200x128xi32, #tpu.memory_space<hbm>>
      %dma_start3A_1128 = tpu.memref_slice %arg3[%mul3A_1116, %mul3A_1121] : memref<2600x16384xi32, #tpu.memory_space<hbm>> -> memref<200x128xi32, #tpu.memory_space<hbm>>
      %dma_start3A_1129 = arith.constant 0 : i32
      %dma_start3A_1130 = arith.constant 0 : i32
      %dma_start3A_1131 = tpu.memref_slice %arg5[%dma_start3A_1122, %dma_start3A_1129, %dma_start3A_1130] : memref<2x200x128xi32, #tpu.memory_space<vmem>> -> memref<1x200x128xi32, #tpu.memory_space<vmem>>
      %dma_start3A_1132 = tpu.memref_squeeze %dma_start3A_1131 : memref<1x200x128xi32, #tpu.memory_space<vmem>> -> memref<200x128xi32, #tpu.memory_space<vmem>>
      tpu.enqueue_dma source(%dma_start3A_1132 : memref<200x128xi32, #tpu.memory_space<vmem>>) target(%dma_start3A_1128 : memref<200x128xi32, #tpu.memory_space<hbm>>) target_semaphore(%arg6 : memref<!tpu.dma_semaphore, #tpu.memory_space<semaphore_mem>>)
      %mul3A_1133 = arith.constant 2 : i32
      %mul3A_1134 = arith.muli %scan3A_642, %mul3A_1133 : i32
      %add3A_1135 = arith.constant 1 : i32
      %add3A_1136 = arith.addi %mul3A_1134, %add3A_1135 : i32
      %dma_wait3A_1137 = arith.constant 1 : i32
      %dma_wait3A_1138 = arith.constant 0 : i32
      %dma_wait3A_1139 = arith.constant 0 : i32
      %dma_wait3A_1140 = tpu.memref_slice %arg5[%dma_wait3A_1137, %dma_wait3A_1138, %dma_wait3A_1139] : memref<2x200x128xi32, #tpu.memory_space<vmem>> -> memref<1x200x128xi32, #tpu.memory_space<vmem>>
      %dma_wait3A_1141 = tpu.memref_squeeze %dma_wait3A_1140 : memref<1x200x128xi32, #tpu.memory_space<vmem>> -> memref<200x128xi32, #tpu.memory_space<vmem>>
      %dma_wait3A_1142 = arith.constant 0 : i32
      %dma_wait3A_1143 = arith.constant 0 : i32
      %dma_wait3A_1144 = tpu.memref_slice %arg3[%dma_wait3A_1142, %dma_wait3A_1143] : memref<2600x16384xi32, #tpu.memory_space<hbm>> -> memref<200x128xi32, #tpu.memory_space<hbm>>
      %dma_wait3A_1145 = arith.constant 0 : i32
      %dma_wait3A_1146 = arith.constant 0 : i32
      %dma_wait3A_1147 = tpu.memref_slice %arg3[%dma_wait3A_1145, %dma_wait3A_1146] : memref<2600x16384xi32, #tpu.memory_space<hbm>> -> memref<200x128xi32, #tpu.memory_space<hbm>>
      %dma_wait3A_1148 = arith.constant 0 : i32
      %dma_wait3A_1149 = arith.constant 0 : i32
      %dma_wait3A_1150 = tpu.memref_slice %arg5[%dma_wait3A_1137, %dma_wait3A_1148, %dma_wait3A_1149] : memref<2x200x128xi32, #tpu.memory_space<vmem>> -> memref<1x200x128xi32, #tpu.memory_space<vmem>>
      %dma_wait3A_1151 = tpu.memref_squeeze %dma_wait3A_1150 : memref<1x200x128xi32, #tpu.memory_space<vmem>> -> memref<200x128xi32, #tpu.memory_space<vmem>>
      tpu.wait_dma2 semaphore(%arg7 : memref<!tpu.dma_semaphore, #tpu.memory_space<semaphore_mem>>) src(%dma_wait3A_1151 : memref<200x128xi32, #tpu.memory_space<vmem>>) dst(%dma_wait3A_1147 : memref<200x128xi32, #tpu.memory_space<hbm>>)
      %sub3A_1152 = arith.constant 2 : i32
      %sub3A_1153 = arith.subi %add3A_1136, %sub3A_1152 : i32
      %shift_right_arithmetic3A_1154 = arith.constant 2 : i32
      %shift_right_arithmetic3A_1155 = arith.shrsi %sub3A_1153, %shift_right_arithmetic3A_1154 : i32
      %and3A_1156 = arith.constant 3 : i32
      %and3A_1157 = arith.andi %sub3A_1153, %and3A_1156 : i32
      %broadcast_in_dim3A_1158 = arith.constant 1 : i32
      %broadcast_in_dim3A_1159 = vector.broadcast %broadcast_in_dim3A_1158 : i32 to vector<16xi32>
      %mul3A_1160 = arith.constant 2 : i32
      %mul3A_1161 = arith.muli %mul3A_1160, %shift_right_arithmetic3A_1155 : i32
      %add3A_1162 = arith.constant 0 : i32
      %add3A_1163 = arith.addi %mul3A_1161, %add3A_1162 : i32
      %broadcast_in_dim3A_1164 = vector.broadcast %add3A_1163 : i32 to vector<16xi32>
      %mul3A_1165 = arith.constant 128 : i32
      %mul3A_1166 = arith.muli %and3A_1157, %mul3A_1165 : i32
      %add3A_1167 = arith.constant 0 : i32
      %add3A_1168 = arith.addi %mul3A_1166, %add3A_1167 : i32
      %add3A_1169 = vector.broadcast %add3A_1168 : i32 to vector<16xi32>
      %add3A_1170 = arith.addi %add3A_1169, %iota3A : vector<16xi32>
      %gather3A_1171 = tpu.vector_load_idx %arg4[%broadcast_in_dim3A_1164, %add3A_1170] : memref<26x512xi32, #tpu.memory_space<vmem>>[vector<16xi32>, vector<16xi32>], vector<16xi32>,
      %add3A_1172 = arith.constant 0 : i32
      %add3A_1173 = vector.broadcast %add3A_1172 : i32 to vector<16xi32>
      %add3A_1174 = arith.addi %add3A_1173, %gather3A_1171 : vector<16xi32>
      %add3A_1175 = arith.constant 0 : i32
      %add3A_1176 = vector.broadcast %add3A_1175 : i32 to vector<16xi32>
      %add3A_1177 = arith.addi %add3A_1176, %iota3A : vector<16xi32>
      tpu.vector_store_idx %arg5[%broadcast_in_dim3A_1159, %add3A_1174, %add3A_1177], %broadcast_in_dim3A_3 : memref<2x200x128xi32, #tpu.memory_space<vmem>>[vector<16xi32>, vector<16xi32>, vector<16xi32>], vector<16xi32>,
      %mul3A_1178 = arith.constant 128 : i32
      %mul3A_1179 = arith.muli %and3A_1157, %mul3A_1178 : i32
      %add3A_1180 = arith.constant 16 : i32
      %add3A_1181 = arith.addi %mul3A_1179, %add3A_1180 : i32
      %add3A_1182 = vector.broadcast %add3A_1181 : i32 to vector<16xi32>
      %add3A_1183 = arith.addi %add3A_1182, %iota3A : vector<16xi32>
      %gather3A_1184 = tpu.vector_load_idx %arg4[%broadcast_in_dim3A_1164, %add3A_1183] : memref<26x512xi32, #tpu.memory_space<vmem>>[vector<16xi32>, vector<16xi32>], vector<16xi32>,
      %add3A_1185 = arith.constant 0 : i32
      %add3A_1186 = vector.broadcast %add3A_1185 : i32 to vector<16xi32>
      %add3A_1187 = arith.addi %add3A_1186, %gather3A_1184 : vector<16xi32>
      %add3A_1188 = arith.constant 16 : i32
      %add3A_1189 = vector.broadcast %add3A_1188 : i32 to vector<16xi32>
      %add3A_1190 = arith.addi %add3A_1189, %iota3A : vector<16xi32>
      tpu.vector_store_idx %arg5[%broadcast_in_dim3A_1159, %add3A_1187, %add3A_1190], %broadcast_in_dim3A_3 : memref<2x200x128xi32, #tpu.memory_space<vmem>>[vector<16xi32>, vector<16xi32>, vector<16xi32>], vector<16xi32>,
      %mul3A_1191 = arith.constant 128 : i32
      %mul3A_1192 = arith.muli %and3A_1157, %mul3A_1191 : i32
      %add3A_1193 = arith.constant 32 : i32
      %add3A_1194 = arith.addi %mul3A_1192, %add3A_1193 : i32
      %add3A_1195 = vector.broadcast %add3A_1194 : i32 to vector<16xi32>
      %add3A_1196 = arith.addi %add3A_1195, %iota3A : vector<16xi32>
      %gather3A_1197 = tpu.vector_load_idx %arg4[%broadcast_in_dim3A_1164, %add3A_1196] : memref<26x512xi32, #tpu.memory_space<vmem>>[vector<16xi32>, vector<16xi32>], vector<16xi32>,
      %add3A_1198 = arith.constant 0 : i32
      %add3A_1199 = vector.broadcast %add3A_1198 : i32 to vector<16xi32>
      %add3A_1200 = arith.addi %add3A_1199, %gather3A_1197 : vector<16xi32>
      %add3A_1201 = arith.constant 32 : i32
      %add3A_1202 = vector.broadcast %add3A_1201 : i32 to vector<16xi32>
      %add3A_1203 = arith.addi %add3A_1202, %iota3A : vector<16xi32>
      tpu.vector_store_idx %arg5[%broadcast_in_dim3A_1159, %add3A_1200, %add3A_1203], %broadcast_in_dim3A_3 : memref<2x200x128xi32, #tpu.memory_space<vmem>>[vector<16xi32>, vector<16xi32>, vector<16xi32>], vector<16xi32>,
      %mul3A_1204 = arith.constant 128 : i32
      %mul3A_1205 = arith.muli %and3A_1157, %mul3A_1204 : i32
      %add3A_1206 = arith.constant 48 : i32
      %add3A_1207 = arith.addi %mul3A_1205, %add3A_1206 : i32
      %add3A_1208 = vector.broadcast %add3A_1207 : i32 to vector<16xi32>
      %add3A_1209 = arith.addi %add3A_1208, %iota3A : vector<16xi32>
      %gather3A_1210 = tpu.vector_load_idx %arg4[%broadcast_in_dim3A_1164, %add3A_1209] : memref<26x512xi32, #tpu.memory_space<vmem>>[vector<16xi32>, vector<16xi32>], vector<16xi32>,
      %add3A_1211 = arith.constant 0 : i32
      %add3A_1212 = vector.broadcast %add3A_1211 : i32 to vector<16xi32>
      %add3A_1213 = arith.addi %add3A_1212, %gather3A_1210 : vector<16xi32>
      %add3A_1214 = arith.constant 48 : i32
      %add3A_1215 = vector.broadcast %add3A_1214 : i32 to vector<16xi32>
      %add3A_1216 = arith.addi %add3A_1215, %iota3A : vector<16xi32>
      tpu.vector_store_idx %arg5[%broadcast_in_dim3A_1159, %add3A_1213, %add3A_1216], %broadcast_in_dim3A_3 : memref<2x200x128xi32, #tpu.memory_space<vmem>>[vector<16xi32>, vector<16xi32>, vector<16xi32>], vector<16xi32>,
      %mul3A_1217 = arith.constant 128 : i32
      %mul3A_1218 = arith.muli %and3A_1157, %mul3A_1217 : i32
      %add3A_1219 = arith.constant 64 : i32
      %add3A_1220 = arith.addi %mul3A_1218, %add3A_1219 : i32
      %add3A_1221 = vector.broadcast %add3A_1220 : i32 to vector<16xi32>
      %add3A_1222 = arith.addi %add3A_1221, %iota3A : vector<16xi32>
      %gather3A_1223 = tpu.vector_load_idx %arg4[%broadcast_in_dim3A_1164, %add3A_1222] : memref<26x512xi32, #tpu.memory_space<vmem>>[vector<16xi32>, vector<16xi32>], vector<16xi32>,
      %add3A_1224 = arith.constant 0 : i32
      %add3A_1225 = vector.broadcast %add3A_1224 : i32 to vector<16xi32>
      %add3A_1226 = arith.addi %add3A_1225, %gather3A_1223 : vector<16xi32>
      %add3A_1227 = arith.constant 64 : i32
      %add3A_1228 = vector.broadcast %add3A_1227 : i32 to vector<16xi32>
      %add3A_1229 = arith.addi %add3A_1228, %iota3A : vector<16xi32>
      tpu.vector_store_idx %arg5[%broadcast_in_dim3A_1159, %add3A_1226, %add3A_1229], %broadcast_in_dim3A_3 : memref<2x200x128xi32, #tpu.memory_space<vmem>>[vector<16xi32>, vector<16xi32>, vector<16xi32>], vector<16xi32>,
      %mul3A_1230 = arith.constant 128 : i32
      %mul3A_1231 = arith.muli %and3A_1157, %mul3A_1230 : i32
      %add3A_1232 = arith.constant 80 : i32
      %add3A_1233 = arith.addi %mul3A_1231, %add3A_1232 : i32
      %add3A_1234 = vector.broadcast %add3A_1233 : i32 to vector<16xi32>
      %add3A_1235 = arith.addi %add3A_1234, %iota3A : vector<16xi32>
      %gather3A_1236 = tpu.vector_load_idx %arg4[%broadcast_in_dim3A_1164, %add3A_1235] : memref<26x512xi32, #tpu.memory_space<vmem>>[vector<16xi32>, vector<16xi32>], vector<16xi32>,
      %add3A_1237 = arith.constant 0 : i32
      %add3A_1238 = vector.broadcast %add3A_1237 : i32 to vector<16xi32>
      %add3A_1239 = arith.addi %add3A_1238, %gather3A_1236 : vector<16xi32>
      %add3A_1240 = arith.constant 80 : i32
      %add3A_1241 = vector.broadcast %add3A_1240 : i32 to vector<16xi32>
      %add3A_1242 = arith.addi %add3A_1241, %iota3A : vector<16xi32>
      tpu.vector_store_idx %arg5[%broadcast_in_dim3A_1159, %add3A_1239, %add3A_1242], %broadcast_in_dim3A_3 : memref<2x200x128xi32, #tpu.memory_space<vmem>>[vector<16xi32>, vector<16xi32>, vector<16xi32>], vector<16xi32>,
      %mul3A_1243 = arith.constant 128 : i32
      %mul3A_1244 = arith.muli %and3A_1157, %mul3A_1243 : i32
      %add3A_1245 = arith.constant 96 : i32
      %add3A_1246 = arith.addi %mul3A_1244, %add3A_1245 : i32
      %add3A_1247 = vector.broadcast %add3A_1246 : i32 to vector<16xi32>
      %add3A_1248 = arith.addi %add3A_1247, %iota3A : vector<16xi32>
      %gather3A_1249 = tpu.vector_load_idx %arg4[%broadcast_in_dim3A_1164, %add3A_1248] : memref<26x512xi32, #tpu.memory_space<vmem>>[vector<16xi32>, vector<16xi32>], vector<16xi32>,
      %add3A_1250 = arith.constant 0 : i32
      %add3A_1251 = vector.broadcast %add3A_1250 : i32 to vector<16xi32>
      %add3A_1252 = arith.addi %add3A_1251, %gather3A_1249 : vector<16xi32>
      %add3A_1253 = arith.constant 96 : i32
      %add3A_1254 = vector.broadcast %add3A_1253 : i32 to vector<16xi32>
      %add3A_1255 = arith.addi %add3A_1254, %iota3A : vector<16xi32>
      tpu.vector_store_idx %arg5[%broadcast_in_dim3A_1159, %add3A_1252, %add3A_1255], %broadcast_in_dim3A_3 : memref<2x200x128xi32, #tpu.memory_space<vmem>>[vector<16xi32>, vector<16xi32>, vector<16xi32>], vector<16xi32>,
      %mul3A_1256 = arith.constant 128 : i32
      %mul3A_1257 = arith.muli %and3A_1157, %mul3A_1256 : i32
      %add3A_1258 = arith.constant 112 : i32
      %add3A_1259 = arith.addi %mul3A_1257, %add3A_1258 : i32
      %add3A_1260 = vector.broadcast %add3A_1259 : i32 to vector<16xi32>
      %add3A_1261 = arith.addi %add3A_1260, %iota3A : vector<16xi32>
      %gather3A_1262 = tpu.vector_load_idx %arg4[%broadcast_in_dim3A_1164, %add3A_1261] : memref<26x512xi32, #tpu.memory_space<vmem>>[vector<16xi32>, vector<16xi32>], vector<16xi32>,
      %add3A_1263 = arith.constant 0 : i32
      %add3A_1264 = vector.broadcast %add3A_1263 : i32 to vector<16xi32>
      %add3A_1265 = arith.addi %add3A_1264, %gather3A_1262 : vector<16xi32>
      %add3A_1266 = arith.constant 112 : i32
      %add3A_1267 = vector.broadcast %add3A_1266 : i32 to vector<16xi32>
      %add3A_1268 = arith.addi %add3A_1267, %iota3A : vector<16xi32>
      tpu.vector_store_idx %arg5[%broadcast_in_dim3A_1159, %add3A_1265, %add3A_1268], %broadcast_in_dim3A_3 : memref<2x200x128xi32, #tpu.memory_space<vmem>>[vector<16xi32>, vector<16xi32>, vector<16xi32>], vector<16xi32>,
      %mul3A_1269 = arith.constant 2 : i32
      %mul3A_1270 = arith.muli %mul3A_1269, %shift_right_arithmetic3A_1155 : i32
      %add3A_1271 = arith.constant 1 : i32
      %add3A_1272 = arith.addi %mul3A_1270, %add3A_1271 : i32
      %broadcast_in_dim3A_1273 = vector.broadcast %add3A_1272 : i32 to vector<16xi32>
      %mul3A_1274 = arith.constant 128 : i32
      %mul3A_1275 = arith.muli %and3A_1157, %mul3A_1274 : i32
      %add3A_1276 = arith.constant 0 : i32
      %add3A_1277 = arith.addi %mul3A_1275, %add3A_1276 : i32
      %add3A_1278 = vector.broadcast %add3A_1277 : i32 to vector<16xi32>
      %add3A_1279 = arith.addi %add3A_1278, %iota3A : vector<16xi32>
      %gather3A_1280 = tpu.vector_load_idx %arg4[%broadcast_in_dim3A_1273, %add3A_1279] : memref<26x512xi32, #tpu.memory_space<vmem>>[vector<16xi32>, vector<16xi32>], vector<16xi32>,
      %add3A_1281 = arith.constant 100 : i32
      %add3A_1282 = vector.broadcast %add3A_1281 : i32 to vector<16xi32>
      %add3A_1283 = arith.addi %add3A_1282, %gather3A_1280 : vector<16xi32>
      %add3A_1284 = arith.constant 0 : i32
      %add3A_1285 = vector.broadcast %add3A_1284 : i32 to vector<16xi32>
      %add3A_1286 = arith.addi %add3A_1285, %iota3A : vector<16xi32>
      tpu.vector_store_idx %arg5[%broadcast_in_dim3A_1159, %add3A_1283, %add3A_1286], %broadcast_in_dim3A_3 : memref<2x200x128xi32, #tpu.memory_space<vmem>>[vector<16xi32>, vector<16xi32>, vector<16xi32>], vector<16xi32>,
      %mul3A_1287 = arith.constant 128 : i32
      %mul3A_1288 = arith.muli %and3A_1157, %mul3A_1287 : i32
      %add3A_1289 = arith.constant 16 : i32
      %add3A_1290 = arith.addi %mul3A_1288, %add3A_1289 : i32
      %add3A_1291 = vector.broadcast %add3A_1290 : i32 to vector<16xi32>
      %add3A_1292 = arith.addi %add3A_1291, %iota3A : vector<16xi32>
      %gather3A_1293 = tpu.vector_load_idx %arg4[%broadcast_in_dim3A_1273, %add3A_1292] : memref<26x512xi32, #tpu.memory_space<vmem>>[vector<16xi32>, vector<16xi32>], vector<16xi32>,
      %add3A_1294 = arith.constant 100 : i32
      %add3A_1295 = vector.broadcast %add3A_1294 : i32 to vector<16xi32>
      %add3A_1296 = arith.addi %add3A_1295, %gather3A_1293 : vector<16xi32>
      %add3A_1297 = arith.constant 16 : i32
      %add3A_1298 = vector.broadcast %add3A_1297 : i32 to vector<16xi32>
      %add3A_1299 = arith.addi %add3A_1298, %iota3A : vector<16xi32>
      tpu.vector_store_idx %arg5[%broadcast_in_dim3A_1159, %add3A_1296, %add3A_1299], %broadcast_in_dim3A_3 : memref<2x200x128xi32, #tpu.memory_space<vmem>>[vector<16xi32>, vector<16xi32>, vector<16xi32>], vector<16xi32>,
      %mul3A_1300 = arith.constant 128 : i32
      %mul3A_1301 = arith.muli %and3A_1157, %mul3A_1300 : i32
      %add3A_1302 = arith.constant 32 : i32
      %add3A_1303 = arith.addi %mul3A_1301, %add3A_1302 : i32
      %add3A_1304 = vector.broadcast %add3A_1303 : i32 to vector<16xi32>
      %add3A_1305 = arith.addi %add3A_1304, %iota3A : vector<16xi32>
      %gather3A_1306 = tpu.vector_load_idx %arg4[%broadcast_in_dim3A_1273, %add3A_1305] : memref<26x512xi32, #tpu.memory_space<vmem>>[vector<16xi32>, vector<16xi32>], vector<16xi32>,
      %add3A_1307 = arith.constant 100 : i32
      %add3A_1308 = vector.broadcast %add3A_1307 : i32 to vector<16xi32>
      %add3A_1309 = arith.addi %add3A_1308, %gather3A_1306 : vector<16xi32>
      %add3A_1310 = arith.constant 32 : i32
      %add3A_1311 = vector.broadcast %add3A_1310 : i32 to vector<16xi32>
      %add3A_1312 = arith.addi %add3A_1311, %iota3A : vector<16xi32>
      tpu.vector_store_idx %arg5[%broadcast_in_dim3A_1159, %add3A_1309, %add3A_1312], %broadcast_in_dim3A_3 : memref<2x200x128xi32, #tpu.memory_space<vmem>>[vector<16xi32>, vector<16xi32>, vector<16xi32>], vector<16xi32>,
      %mul3A_1313 = arith.constant 128 : i32
      %mul3A_1314 = arith.muli %and3A_1157, %mul3A_1313 : i32
      %add3A_1315 = arith.constant 48 : i32
      %add3A_1316 = arith.addi %mul3A_1314, %add3A_1315 : i32
      %add3A_1317 = vector.broadcast %add3A_1316 : i32 to vector<16xi32>
      %add3A_1318 = arith.addi %add3A_1317, %iota3A : vector<16xi32>
      %gather3A_1319 = tpu.vector_load_idx %arg4[%broadcast_in_dim3A_1273, %add3A_1318] : memref<26x512xi32, #tpu.memory_space<vmem>>[vector<16xi32>, vector<16xi32>], vector<16xi32>,
      %add3A_1320 = arith.constant 100 : i32
      %add3A_1321 = vector.broadcast %add3A_1320 : i32 to vector<16xi32>
      %add3A_1322 = arith.addi %add3A_1321, %gather3A_1319 : vector<16xi32>
      %add3A_1323 = arith.constant 48 : i32
      %add3A_1324 = vector.broadcast %add3A_1323 : i32 to vector<16xi32>
      %add3A_1325 = arith.addi %add3A_1324, %iota3A : vector<16xi32>
      tpu.vector_store_idx %arg5[%broadcast_in_dim3A_1159, %add3A_1322, %add3A_1325], %broadcast_in_dim3A_3 : memref<2x200x128xi32, #tpu.memory_space<vmem>>[vector<16xi32>, vector<16xi32>, vector<16xi32>], vector<16xi32>,
      %mul3A_1326 = arith.constant 128 : i32
      %mul3A_1327 = arith.muli %and3A_1157, %mul3A_1326 : i32
      %add3A_1328 = arith.constant 64 : i32
      %add3A_1329 = arith.addi %mul3A_1327, %add3A_1328 : i32
      %add3A_1330 = vector.broadcast %add3A_1329 : i32 to vector<16xi32>
      %add3A_1331 = arith.addi %add3A_1330, %iota3A : vector<16xi32>
      %gather3A_1332 = tpu.vector_load_idx %arg4[%broadcast_in_dim3A_1273, %add3A_1331] : memref<26x512xi32, #tpu.memory_space<vmem>>[vector<16xi32>, vector<16xi32>], vector<16xi32>,
      %add3A_1333 = arith.constant 100 : i32
      %add3A_1334 = vector.broadcast %add3A_1333 : i32 to vector<16xi32>
      %add3A_1335 = arith.addi %add3A_1334, %gather3A_1332 : vector<16xi32>
      %add3A_1336 = arith.constant 64 : i32
      %add3A_1337 = vector.broadcast %add3A_1336 : i32 to vector<16xi32>
      %add3A_1338 = arith.addi %add3A_1337, %iota3A : vector<16xi32>
      tpu.vector_store_idx %arg5[%broadcast_in_dim3A_1159, %add3A_1335, %add3A_1338], %broadcast_in_dim3A_3 : memref<2x200x128xi32, #tpu.memory_space<vmem>>[vector<16xi32>, vector<16xi32>, vector<16xi32>], vector<16xi32>,
      %mul3A_1339 = arith.constant 128 : i32
      %mul3A_1340 = arith.muli %and3A_1157, %mul3A_1339 : i32
      %add3A_1341 = arith.constant 80 : i32
      %add3A_1342 = arith.addi %mul3A_1340, %add3A_1341 : i32
      %add3A_1343 = vector.broadcast %add3A_1342 : i32 to vector<16xi32>
      %add3A_1344 = arith.addi %add3A_1343, %iota3A : vector<16xi32>
      %gather3A_1345 = tpu.vector_load_idx %arg4[%broadcast_in_dim3A_1273, %add3A_1344] : memref<26x512xi32, #tpu.memory_space<vmem>>[vector<16xi32>, vector<16xi32>], vector<16xi32>,
      %add3A_1346 = arith.constant 100 : i32
      %add3A_1347 = vector.broadcast %add3A_1346 : i32 to vector<16xi32>
      %add3A_1348 = arith.addi %add3A_1347, %gather3A_1345 : vector<16xi32>
      %add3A_1349 = arith.constant 80 : i32
      %add3A_1350 = vector.broadcast %add3A_1349 : i32 to vector<16xi32>
      %add3A_1351 = arith.addi %add3A_1350, %iota3A : vector<16xi32>
      tpu.vector_store_idx %arg5[%broadcast_in_dim3A_1159, %add3A_1348, %add3A_1351], %broadcast_in_dim3A_3 : memref<2x200x128xi32, #tpu.memory_space<vmem>>[vector<16xi32>, vector<16xi32>, vector<16xi32>], vector<16xi32>,
      %mul3A_1352 = arith.constant 128 : i32
      %mul3A_1353 = arith.muli %and3A_1157, %mul3A_1352 : i32
      %add3A_1354 = arith.constant 96 : i32
      %add3A_1355 = arith.addi %mul3A_1353, %add3A_1354 : i32
      %add3A_1356 = vector.broadcast %add3A_1355 : i32 to vector<16xi32>
      %add3A_1357 = arith.addi %add3A_1356, %iota3A : vector<16xi32>
      %gather3A_1358 = tpu.vector_load_idx %arg4[%broadcast_in_dim3A_1273, %add3A_1357] : memref<26x512xi32, #tpu.memory_space<vmem>>[vector<16xi32>, vector<16xi32>], vector<16xi32>,
      %add3A_1359 = arith.constant 100 : i32
      %add3A_1360 = vector.broadcast %add3A_1359 : i32 to vector<16xi32>
      %add3A_1361 = arith.addi %add3A_1360, %gather3A_1358 : vector<16xi32>
      %add3A_1362 = arith.constant 96 : i32
      %add3A_1363 = vector.broadcast %add3A_1362 : i32 to vector<16xi32>
      %add3A_1364 = arith.addi %add3A_1363, %iota3A : vector<16xi32>
      tpu.vector_store_idx %arg5[%broadcast_in_dim3A_1159, %add3A_1361, %add3A_1364], %broadcast_in_dim3A_3 : memref<2x200x128xi32, #tpu.memory_space<vmem>>[vector<16xi32>, vector<16xi32>, vector<16xi32>], vector<16xi32>,
      %mul3A_1365 = arith.constant 128 : i32
      %mul3A_1366 = arith.muli %and3A_1157, %mul3A_1365 : i32
      %add3A_1367 = arith.constant 112 : i32
      %add3A_1368 = arith.addi %mul3A_1366, %add3A_1367 : i32
      %add3A_1369 = vector.broadcast %add3A_1368 : i32 to vector<16xi32>
      %add3A_1370 = arith.addi %add3A_1369, %iota3A : vector<16xi32>
      %gather3A_1371 = tpu.vector_load_idx %arg4[%broadcast_in_dim3A_1273, %add3A_1370] : memref<26x512xi32, #tpu.memory_space<vmem>>[vector<16xi32>, vector<16xi32>], vector<16xi32>,
      %add3A_1372 = arith.constant 100 : i32
      %add3A_1373 = vector.broadcast %add3A_1372 : i32 to vector<16xi32>
      %add3A_1374 = arith.addi %add3A_1373, %gather3A_1371 : vector<16xi32>
      %add3A_1375 = arith.constant 112 : i32
      %add3A_1376 = vector.broadcast %add3A_1375 : i32 to vector<16xi32>
      %add3A_1377 = arith.addi %add3A_1376, %iota3A : vector<16xi32>
      tpu.vector_store_idx %arg5[%broadcast_in_dim3A_1159, %add3A_1374, %add3A_1377], %broadcast_in_dim3A_3 : memref<2x200x128xi32, #tpu.memory_space<vmem>>[vector<16xi32>, vector<16xi32>, vector<16xi32>], vector<16xi32>,
      %shift_right_arithmetic3A_1378 = arith.constant 2 : i32
      %shift_right_arithmetic3A_1379 = arith.shrsi %add3A_1136, %shift_right_arithmetic3A_1378 : i32
      %and3A_1380 = arith.constant 3 : i32
      %and3A_1381 = arith.andi %add3A_1136, %and3A_1380 : i32
      %broadcast_in_dim3A_1382 = arith.constant 1 : i32
      %broadcast_in_dim3A_1383 = vector.broadcast %broadcast_in_dim3A_1382 : i32 to vector<16xi32>
      %mul3A_1384 = arith.constant 2 : i32
      %mul3A_1385 = arith.muli %mul3A_1384, %shift_right_arithmetic3A_1379 : i32
      %add3A_1386 = arith.constant 0 : i32
      %add3A_1387 = arith.addi %mul3A_1385, %add3A_1386 : i32
      %broadcast_in_dim3A_1388 = vector.broadcast %add3A_1387 : i32 to vector<16xi32>
      %mul3A_1389 = arith.constant 128 : i32
      %mul3A_1390 = arith.muli %and3A_1381, %mul3A_1389 : i32
      %add3A_1391 = arith.constant 0 : i32
      %add3A_1392 = arith.addi %mul3A_1390, %add3A_1391 : i32
      %add3A_1393 = vector.broadcast %add3A_1392 : i32 to vector<16xi32>
      %add3A_1394 = arith.addi %add3A_1393, %iota3A : vector<16xi32>
      %gather3A_1395 = tpu.vector_load_idx %arg4[%broadcast_in_dim3A_1388, %add3A_1394] : memref<26x512xi32, #tpu.memory_space<vmem>>[vector<16xi32>, vector<16xi32>], vector<16xi32>,
      %add3A_1396 = arith.constant 0 : i32
      %add3A_1397 = vector.broadcast %add3A_1396 : i32 to vector<16xi32>
      %add3A_1398 = arith.addi %add3A_1397, %gather3A_1395 : vector<16xi32>
      %add3A_1399 = arith.constant 0 : i32
      %add3A_1400 = vector.broadcast %add3A_1399 : i32 to vector<16xi32>
      %add3A_1401 = arith.addi %add3A_1400, %iota3A : vector<16xi32>
      tpu.vector_store_idx %arg5[%broadcast_in_dim3A_1383, %add3A_1398, %add3A_1401], %broadcast_in_dim3A_1 : memref<2x200x128xi32, #tpu.memory_space<vmem>>[vector<16xi32>, vector<16xi32>, vector<16xi32>], vector<16xi32>,
      %mul3A_1402 = arith.constant 128 : i32
      %mul3A_1403 = arith.muli %and3A_1381, %mul3A_1402 : i32
      %add3A_1404 = arith.constant 16 : i32
      %add3A_1405 = arith.addi %mul3A_1403, %add3A_1404 : i32
      %add3A_1406 = vector.broadcast %add3A_1405 : i32 to vector<16xi32>
      %add3A_1407 = arith.addi %add3A_1406, %iota3A : vector<16xi32>
      %gather3A_1408 = tpu.vector_load_idx %arg4[%broadcast_in_dim3A_1388, %add3A_1407] : memref<26x512xi32, #tpu.memory_space<vmem>>[vector<16xi32>, vector<16xi32>], vector<16xi32>,
      %add3A_1409 = arith.constant 0 : i32
      %add3A_1410 = vector.broadcast %add3A_1409 : i32 to vector<16xi32>
      %add3A_1411 = arith.addi %add3A_1410, %gather3A_1408 : vector<16xi32>
      %add3A_1412 = arith.constant 16 : i32
      %add3A_1413 = vector.broadcast %add3A_1412 : i32 to vector<16xi32>
      %add3A_1414 = arith.addi %add3A_1413, %iota3A : vector<16xi32>
      tpu.vector_store_idx %arg5[%broadcast_in_dim3A_1383, %add3A_1411, %add3A_1414], %broadcast_in_dim3A_1 : memref<2x200x128xi32, #tpu.memory_space<vmem>>[vector<16xi32>, vector<16xi32>, vector<16xi32>], vector<16xi32>,
      %mul3A_1415 = arith.constant 128 : i32
      %mul3A_1416 = arith.muli %and3A_1381, %mul3A_1415 : i32
      %add3A_1417 = arith.constant 32 : i32
      %add3A_1418 = arith.addi %mul3A_1416, %add3A_1417 : i32
      %add3A_1419 = vector.broadcast %add3A_1418 : i32 to vector<16xi32>
      %add3A_1420 = arith.addi %add3A_1419, %iota3A : vector<16xi32>
      %gather3A_1421 = tpu.vector_load_idx %arg4[%broadcast_in_dim3A_1388, %add3A_1420] : memref<26x512xi32, #tpu.memory_space<vmem>>[vector<16xi32>, vector<16xi32>], vector<16xi32>,
      %add3A_1422 = arith.constant 0 : i32
      %add3A_1423 = vector.broadcast %add3A_1422 : i32 to vector<16xi32>
      %add3A_1424 = arith.addi %add3A_1423, %gather3A_1421 : vector<16xi32>
      %add3A_1425 = arith.constant 32 : i32
      %add3A_1426 = vector.broadcast %add3A_1425 : i32 to vector<16xi32>
      %add3A_1427 = arith.addi %add3A_1426, %iota3A : vector<16xi32>
      tpu.vector_store_idx %arg5[%broadcast_in_dim3A_1383, %add3A_1424, %add3A_1427], %broadcast_in_dim3A_1 : memref<2x200x128xi32, #tpu.memory_space<vmem>>[vector<16xi32>, vector<16xi32>, vector<16xi32>], vector<16xi32>,
      %mul3A_1428 = arith.constant 128 : i32
      %mul3A_1429 = arith.muli %and3A_1381, %mul3A_1428 : i32
      %add3A_1430 = arith.constant 48 : i32
      %add3A_1431 = arith.addi %mul3A_1429, %add3A_1430 : i32
      %add3A_1432 = vector.broadcast %add3A_1431 : i32 to vector<16xi32>
      %add3A_1433 = arith.addi %add3A_1432, %iota3A : vector<16xi32>
      %gather3A_1434 = tpu.vector_load_idx %arg4[%broadcast_in_dim3A_1388, %add3A_1433] : memref<26x512xi32, #tpu.memory_space<vmem>>[vector<16xi32>, vector<16xi32>], vector<16xi32>,
      %add3A_1435 = arith.constant 0 : i32
      %add3A_1436 = vector.broadcast %add3A_1435 : i32 to vector<16xi32>
      %add3A_1437 = arith.addi %add3A_1436, %gather3A_1434 : vector<16xi32>
      %add3A_1438 = arith.constant 48 : i32
      %add3A_1439 = vector.broadcast %add3A_1438 : i32 to vector<16xi32>
      %add3A_1440 = arith.addi %add3A_1439, %iota3A : vector<16xi32>
      tpu.vector_store_idx %arg5[%broadcast_in_dim3A_1383, %add3A_1437, %add3A_1440], %broadcast_in_dim3A_1 : memref<2x200x128xi32, #tpu.memory_space<vmem>>[vector<16xi32>, vector<16xi32>, vector<16xi32>], vector<16xi32>,
      %mul3A_1441 = arith.constant 128 : i32
      %mul3A_1442 = arith.muli %and3A_1381, %mul3A_1441 : i32
      %add3A_1443 = arith.constant 64 : i32
      %add3A_1444 = arith.addi %mul3A_1442, %add3A_1443 : i32
      %add3A_1445 = vector.broadcast %add3A_1444 : i32 to vector<16xi32>
      %add3A_1446 = arith.addi %add3A_1445, %iota3A : vector<16xi32>
      %gather3A_1447 = tpu.vector_load_idx %arg4[%broadcast_in_dim3A_1388, %add3A_1446] : memref<26x512xi32, #tpu.memory_space<vmem>>[vector<16xi32>, vector<16xi32>], vector<16xi32>,
      %add3A_1448 = arith.constant 0 : i32
      %add3A_1449 = vector.broadcast %add3A_1448 : i32 to vector<16xi32>
      %add3A_1450 = arith.addi %add3A_1449, %gather3A_1447 : vector<16xi32>
      %add3A_1451 = arith.constant 64 : i32
      %add3A_1452 = vector.broadcast %add3A_1451 : i32 to vector<16xi32>
      %add3A_1453 = arith.addi %add3A_1452, %iota3A : vector<16xi32>
      tpu.vector_store_idx %arg5[%broadcast_in_dim3A_1383, %add3A_1450, %add3A_1453], %broadcast_in_dim3A_1 : memref<2x200x128xi32, #tpu.memory_space<vmem>>[vector<16xi32>, vector<16xi32>, vector<16xi32>], vector<16xi32>,
      %mul3A_1454 = arith.constant 128 : i32
      %mul3A_1455 = arith.muli %and3A_1381, %mul3A_1454 : i32
      %add3A_1456 = arith.constant 80 : i32
      %add3A_1457 = arith.addi %mul3A_1455, %add3A_1456 : i32
      %add3A_1458 = vector.broadcast %add3A_1457 : i32 to vector<16xi32>
      %add3A_1459 = arith.addi %add3A_1458, %iota3A : vector<16xi32>
      %gather3A_1460 = tpu.vector_load_idx %arg4[%broadcast_in_dim3A_1388, %add3A_1459] : memref<26x512xi32, #tpu.memory_space<vmem>>[vector<16xi32>, vector<16xi32>], vector<16xi32>,
      %add3A_1461 = arith.constant 0 : i32
      %add3A_1462 = vector.broadcast %add3A_1461 : i32 to vector<16xi32>
      %add3A_1463 = arith.addi %add3A_1462, %gather3A_1460 : vector<16xi32>
      %add3A_1464 = arith.constant 80 : i32
      %add3A_1465 = vector.broadcast %add3A_1464 : i32 to vector<16xi32>
      %add3A_1466 = arith.addi %add3A_1465, %iota3A : vector<16xi32>
      tpu.vector_store_idx %arg5[%broadcast_in_dim3A_1383, %add3A_1463, %add3A_1466], %broadcast_in_dim3A_1 : memref<2x200x128xi32, #tpu.memory_space<vmem>>[vector<16xi32>, vector<16xi32>, vector<16xi32>], vector<16xi32>,
      %mul3A_1467 = arith.constant 128 : i32
      %mul3A_1468 = arith.muli %and3A_1381, %mul3A_1467 : i32
      %add3A_1469 = arith.constant 96 : i32
      %add3A_1470 = arith.addi %mul3A_1468, %add3A_1469 : i32
      %add3A_1471 = vector.broadcast %add3A_1470 : i32 to vector<16xi32>
      %add3A_1472 = arith.addi %add3A_1471, %iota3A : vector<16xi32>
      %gather3A_1473 = tpu.vector_load_idx %arg4[%broadcast_in_dim3A_1388, %add3A_1472] : memref<26x512xi32, #tpu.memory_space<vmem>>[vector<16xi32>, vector<16xi32>], vector<16xi32>,
      %add3A_1474 = arith.constant 0 : i32
      %add3A_1475 = vector.broadcast %add3A_1474 : i32 to vector<16xi32>
      %add3A_1476 = arith.addi %add3A_1475, %gather3A_1473 : vector<16xi32>
      %add3A_1477 = arith.constant 96 : i32
      %add3A_1478 = vector.broadcast %add3A_1477 : i32 to vector<16xi32>
      %add3A_1479 = arith.addi %add3A_1478, %iota3A : vector<16xi32>
      tpu.vector_store_idx %arg5[%broadcast_in_dim3A_1383, %add3A_1476, %add3A_1479], %broadcast_in_dim3A_1 : memref<2x200x128xi32, #tpu.memory_space<vmem>>[vector<16xi32>, vector<16xi32>, vector<16xi32>], vector<16xi32>,
      %mul3A_1480 = arith.constant 128 : i32
      %mul3A_1481 = arith.muli %and3A_1381, %mul3A_1480 : i32
      %add3A_1482 = arith.constant 112 : i32
      %add3A_1483 = arith.addi %mul3A_1481, %add3A_1482 : i32
      %add3A_1484 = vector.broadcast %add3A_1483 : i32 to vector<16xi32>
      %add3A_1485 = arith.addi %add3A_1484, %iota3A : vector<16xi32>
      %gather3A_1486 = tpu.vector_load_idx %arg4[%broadcast_in_dim3A_1388, %add3A_1485] : memref<26x512xi32, #tpu.memory_space<vmem>>[vector<16xi32>, vector<16xi32>], vector<16xi32>,
      %add3A_1487 = arith.constant 0 : i32
      %add3A_1488 = vector.broadcast %add3A_1487 : i32 to vector<16xi32>
      %add3A_1489 = arith.addi %add3A_1488, %gather3A_1486 : vector<16xi32>
      %add3A_1490 = arith.constant 112 : i32
      %add3A_1491 = vector.broadcast %add3A_1490 : i32 to vector<16xi32>
      %add3A_1492 = arith.addi %add3A_1491, %iota3A : vector<16xi32>
      tpu.vector_store_idx %arg5[%broadcast_in_dim3A_1383, %add3A_1489, %add3A_1492], %broadcast_in_dim3A_1 : memref<2x200x128xi32, #tpu.memory_space<vmem>>[vector<16xi32>, vector<16xi32>, vector<16xi32>], vector<16xi32>,
      %mul3A_1493 = arith.constant 2 : i32
      %mul3A_1494 = arith.muli %mul3A_1493, %shift_right_arithmetic3A_1379 : i32
      %add3A_1495 = arith.constant 1 : i32
      %add3A_1496 = arith.addi %mul3A_1494, %add3A_1495 : i32
      %broadcast_in_dim3A_1497 = vector.broadcast %add3A_1496 : i32 to vector<16xi32>
      %mul3A_1498 = arith.constant 128 : i32
      %mul3A_1499 = arith.muli %and3A_1381, %mul3A_1498 : i32
      %add3A_1500 = arith.constant 0 : i32
      %add3A_1501 = arith.addi %mul3A_1499, %add3A_1500 : i32
      %add3A_1502 = vector.broadcast %add3A_1501 : i32 to vector<16xi32>
      %add3A_1503 = arith.addi %add3A_1502, %iota3A : vector<16xi32>
      %gather3A_1504 = tpu.vector_load_idx %arg4[%broadcast_in_dim3A_1497, %add3A_1503] : memref<26x512xi32, #tpu.memory_space<vmem>>[vector<16xi32>, vector<16xi32>], vector<16xi32>,
      %add3A_1505 = arith.constant 100 : i32
      %add3A_1506 = vector.broadcast %add3A_1505 : i32 to vector<16xi32>
      %add3A_1507 = arith.addi %add3A_1506, %gather3A_1504 : vector<16xi32>
      %add3A_1508 = arith.constant 0 : i32
      %add3A_1509 = vector.broadcast %add3A_1508 : i32 to vector<16xi32>
      %add3A_1510 = arith.addi %add3A_1509, %iota3A : vector<16xi32>
      tpu.vector_store_idx %arg5[%broadcast_in_dim3A_1383, %add3A_1507, %add3A_1510], %broadcast_in_dim3A_1 : memref<2x200x128xi32, #tpu.memory_space<vmem>>[vector<16xi32>, vector<16xi32>, vector<16xi32>], vector<16xi32>,
      %mul3A_1511 = arith.constant 128 : i32
      %mul3A_1512 = arith.muli %and3A_1381, %mul3A_1511 : i32
      %add3A_1513 = arith.constant 16 : i32
      %add3A_1514 = arith.addi %mul3A_1512, %add3A_1513 : i32
      %add3A_1515 = vector.broadcast %add3A_1514 : i32 to vector<16xi32>
      %add3A_1516 = arith.addi %add3A_1515, %iota3A : vector<16xi32>
      %gather3A_1517 = tpu.vector_load_idx %arg4[%broadcast_in_dim3A_1497, %add3A_1516] : memref<26x512xi32, #tpu.memory_space<vmem>>[vector<16xi32>, vector<16xi32>], vector<16xi32>,
      %add3A_1518 = arith.constant 100 : i32
      %add3A_1519 = vector.broadcast %add3A_1518 : i32 to vector<16xi32>
      %add3A_1520 = arith.addi %add3A_1519, %gather3A_1517 : vector<16xi32>
      %add3A_1521 = arith.constant 16 : i32
      %add3A_1522 = vector.broadcast %add3A_1521 : i32 to vector<16xi32>
      %add3A_1523 = arith.addi %add3A_1522, %iota3A : vector<16xi32>
      tpu.vector_store_idx %arg5[%broadcast_in_dim3A_1383, %add3A_1520, %add3A_1523], %broadcast_in_dim3A_1 : memref<2x200x128xi32, #tpu.memory_space<vmem>>[vector<16xi32>, vector<16xi32>, vector<16xi32>], vector<16xi32>,
      %mul3A_1524 = arith.constant 128 : i32
      %mul3A_1525 = arith.muli %and3A_1381, %mul3A_1524 : i32
      %add3A_1526 = arith.constant 32 : i32
      %add3A_1527 = arith.addi %mul3A_1525, %add3A_1526 : i32
      %add3A_1528 = vector.broadcast %add3A_1527 : i32 to vector<16xi32>
      %add3A_1529 = arith.addi %add3A_1528, %iota3A : vector<16xi32>
      %gather3A_1530 = tpu.vector_load_idx %arg4[%broadcast_in_dim3A_1497, %add3A_1529] : memref<26x512xi32, #tpu.memory_space<vmem>>[vector<16xi32>, vector<16xi32>], vector<16xi32>,
      %add3A_1531 = arith.constant 100 : i32
      %add3A_1532 = vector.broadcast %add3A_1531 : i32 to vector<16xi32>
      %add3A_1533 = arith.addi %add3A_1532, %gather3A_1530 : vector<16xi32>
      %add3A_1534 = arith.constant 32 : i32
      %add3A_1535 = vector.broadcast %add3A_1534 : i32 to vector<16xi32>
      %add3A_1536 = arith.addi %add3A_1535, %iota3A : vector<16xi32>
      tpu.vector_store_idx %arg5[%broadcast_in_dim3A_1383, %add3A_1533, %add3A_1536], %broadcast_in_dim3A_1 : memref<2x200x128xi32, #tpu.memory_space<vmem>>[vector<16xi32>, vector<16xi32>, vector<16xi32>], vector<16xi32>,
      %mul3A_1537 = arith.constant 128 : i32
      %mul3A_1538 = arith.muli %and3A_1381, %mul3A_1537 : i32
      %add3A_1539 = arith.constant 48 : i32
      %add3A_1540 = arith.addi %mul3A_1538, %add3A_1539 : i32
      %add3A_1541 = vector.broadcast %add3A_1540 : i32 to vector<16xi32>
      %add3A_1542 = arith.addi %add3A_1541, %iota3A : vector<16xi32>
      %gather3A_1543 = tpu.vector_load_idx %arg4[%broadcast_in_dim3A_1497, %add3A_1542] : memref<26x512xi32, #tpu.memory_space<vmem>>[vector<16xi32>, vector<16xi32>], vector<16xi32>,
      %add3A_1544 = arith.constant 100 : i32
      %add3A_1545 = vector.broadcast %add3A_1544 : i32 to vector<16xi32>
      %add3A_1546 = arith.addi %add3A_1545, %gather3A_1543 : vector<16xi32>
      %add3A_1547 = arith.constant 48 : i32
      %add3A_1548 = vector.broadcast %add3A_1547 : i32 to vector<16xi32>
      %add3A_1549 = arith.addi %add3A_1548, %iota3A : vector<16xi32>
      tpu.vector_store_idx %arg5[%broadcast_in_dim3A_1383, %add3A_1546, %add3A_1549], %broadcast_in_dim3A_1 : memref<2x200x128xi32, #tpu.memory_space<vmem>>[vector<16xi32>, vector<16xi32>, vector<16xi32>], vector<16xi32>,
      %mul3A_1550 = arith.constant 128 : i32
      %mul3A_1551 = arith.muli %and3A_1381, %mul3A_1550 : i32
      %add3A_1552 = arith.constant 64 : i32
      %add3A_1553 = arith.addi %mul3A_1551, %add3A_1552 : i32
      %add3A_1554 = vector.broadcast %add3A_1553 : i32 to vector<16xi32>
      %add3A_1555 = arith.addi %add3A_1554, %iota3A : vector<16xi32>
      %gather3A_1556 = tpu.vector_load_idx %arg4[%broadcast_in_dim3A_1497, %add3A_1555] : memref<26x512xi32, #tpu.memory_space<vmem>>[vector<16xi32>, vector<16xi32>], vector<16xi32>,
      %add3A_1557 = arith.constant 100 : i32
      %add3A_1558 = vector.broadcast %add3A_1557 : i32 to vector<16xi32>
      %add3A_1559 = arith.addi %add3A_1558, %gather3A_1556 : vector<16xi32>
      %add3A_1560 = arith.constant 64 : i32
      %add3A_1561 = vector.broadcast %add3A_1560 : i32 to vector<16xi32>
      %add3A_1562 = arith.addi %add3A_1561, %iota3A : vector<16xi32>
      tpu.vector_store_idx %arg5[%broadcast_in_dim3A_1383, %add3A_1559, %add3A_1562], %broadcast_in_dim3A_1 : memref<2x200x128xi32, #tpu.memory_space<vmem>>[vector<16xi32>, vector<16xi32>, vector<16xi32>], vector<16xi32>,
      %mul3A_1563 = arith.constant 128 : i32
      %mul3A_1564 = arith.muli %and3A_1381, %mul3A_1563 : i32
      %add3A_1565 = arith.constant 80 : i32
      %add3A_1566 = arith.addi %mul3A_1564, %add3A_1565 : i32
      %add3A_1567 = vector.broadcast %add3A_1566 : i32 to vector<16xi32>
      %add3A_1568 = arith.addi %add3A_1567, %iota3A : vector<16xi32>
      %gather3A_1569 = tpu.vector_load_idx %arg4[%broadcast_in_dim3A_1497, %add3A_1568] : memref<26x512xi32, #tpu.memory_space<vmem>>[vector<16xi32>, vector<16xi32>], vector<16xi32>,
      %add3A_1570 = arith.constant 100 : i32
      %add3A_1571 = vector.broadcast %add3A_1570 : i32 to vector<16xi32>
      %add3A_1572 = arith.addi %add3A_1571, %gather3A_1569 : vector<16xi32>
      %add3A_1573 = arith.constant 80 : i32
      %add3A_1574 = vector.broadcast %add3A_1573 : i32 to vector<16xi32>
      %add3A_1575 = arith.addi %add3A_1574, %iota3A : vector<16xi32>
      tpu.vector_store_idx %arg5[%broadcast_in_dim3A_1383, %add3A_1572, %add3A_1575], %broadcast_in_dim3A_1 : memref<2x200x128xi32, #tpu.memory_space<vmem>>[vector<16xi32>, vector<16xi32>, vector<16xi32>], vector<16xi32>,
      %mul3A_1576 = arith.constant 128 : i32
      %mul3A_1577 = arith.muli %and3A_1381, %mul3A_1576 : i32
      %add3A_1578 = arith.constant 96 : i32
      %add3A_1579 = arith.addi %mul3A_1577, %add3A_1578 : i32
      %add3A_1580 = vector.broadcast %add3A_1579 : i32 to vector<16xi32>
      %add3A_1581 = arith.addi %add3A_1580, %iota3A : vector<16xi32>
      %gather3A_1582 = tpu.vector_load_idx %arg4[%broadcast_in_dim3A_1497, %add3A_1581] : memref<26x512xi32, #tpu.memory_space<vmem>>[vector<16xi32>, vector<16xi32>], vector<16xi32>,
      %add3A_1583 = arith.constant 100 : i32
      %add3A_1584 = vector.broadcast %add3A_1583 : i32 to vector<16xi32>
      %add3A_1585 = arith.addi %add3A_1584, %gather3A_1582 : vector<16xi32>
      %add3A_1586 = arith.constant 96 : i32
      %add3A_1587 = vector.broadcast %add3A_1586 : i32 to vector<16xi32>
      %add3A_1588 = arith.addi %add3A_1587, %iota3A : vector<16xi32>
      tpu.vector_store_idx %arg5[%broadcast_in_dim3A_1383, %add3A_1585, %add3A_1588], %broadcast_in_dim3A_1 : memref<2x200x128xi32, #tpu.memory_space<vmem>>[vector<16xi32>, vector<16xi32>, vector<16xi32>], vector<16xi32>,
      %mul3A_1589 = arith.constant 128 : i32
      %mul3A_1590 = arith.muli %and3A_1381, %mul3A_1589 : i32
      %add3A_1591 = arith.constant 112 : i32
      %add3A_1592 = arith.addi %mul3A_1590, %add3A_1591 : i32
      %add3A_1593 = vector.broadcast %add3A_1592 : i32 to vector<16xi32>
      %add3A_1594 = arith.addi %add3A_1593, %iota3A : vector<16xi32>
      %gather3A_1595 = tpu.vector_load_idx %arg4[%broadcast_in_dim3A_1497, %add3A_1594] : memref<26x512xi32, #tpu.memory_space<vmem>>[vector<16xi32>, vector<16xi32>], vector<16xi32>,
      %add3A_1596 = arith.constant 100 : i32
      %add3A_1597 = vector.broadcast %add3A_1596 : i32 to vector<16xi32>
      %add3A_1598 = arith.addi %add3A_1597, %gather3A_1595 : vector<16xi32>
      %add3A_1599 = arith.constant 112 : i32
      %add3A_1600 = vector.broadcast %add3A_1599 : i32 to vector<16xi32>
      %add3A_1601 = arith.addi %add3A_1600, %iota3A : vector<16xi32>
      tpu.vector_store_idx %arg5[%broadcast_in_dim3A_1383, %add3A_1598, %add3A_1601], %broadcast_in_dim3A_1 : memref<2x200x128xi32, #tpu.memory_space<vmem>>[vector<16xi32>, vector<16xi32>, vector<16xi32>], vector<16xi32>,
      %shift_right_arithmetic3A_1602 = arith.constant 2 : i32
      %shift_right_arithmetic3A_1603 = arith.shrsi %add3A_1136, %shift_right_arithmetic3A_1602 : i32
      %and3A_1604 = arith.constant 3 : i32
      %and3A_1605 = arith.andi %add3A_1136, %and3A_1604 : i32
      %mul3A_1606 = arith.constant 200 : i32
      %mul3A_1607 = arith.muli %shift_right_arithmetic3A_1603, %mul3A_1606 : i32
      %mul3A_1608 = arith.constant 32 : i32
      %mul3A_1609 = arith.muli %and3A_1605, %mul3A_1608 : i32
      %add3A_1610 = arith.addi %mul3A_1609, %add3A : i32
      %mul3A_1611 = arith.constant 128 : i32
      %mul3A_1612 = arith.muli %add3A_1610, %mul3A_1611 : i32
      %dma_start3A_1613 = arith.constant 1 : i32
      %dma_start3A_1614 = arith.constant 0 : i32
      %dma_start3A_1615 = arith.constant 0 : i32
      %dma_start3A_1616 = tpu.memref_slice %arg5[%dma_start3A_1613, %dma_start3A_1614, %dma_start3A_1615] : memref<2x200x128xi32, #tpu.memory_space<vmem>> -> memref<1x200x128xi32, #tpu.memory_space<vmem>>
      %dma_start3A_1617 = tpu.memref_squeeze %dma_start3A_1616 : memref<1x200x128xi32, #tpu.memory_space<vmem>> -> memref<200x128xi32, #tpu.memory_space<vmem>>
      %dma_start3A_1618 = tpu.memref_slice %arg3[%mul3A_1607, %mul3A_1612] : memref<2600x16384xi32, #tpu.memory_space<hbm>> -> memref<200x128xi32, #tpu.memory_space<hbm>>
      %dma_start3A_1619 = tpu.memref_slice %arg3[%mul3A_1607, %mul3A_1612] : memref<2600x16384xi32, #tpu.memory_space<hbm>> -> memref<200x128xi32, #tpu.memory_space<hbm>>
      %dma_start3A_1620 = arith.constant 0 : i32
      %dma_start3A_1621 = arith.constant 0 : i32
      %dma_start3A_1622 = tpu.memref_slice %arg5[%dma_start3A_1613, %dma_start3A_1620, %dma_start3A_1621] : memref<2x200x128xi32, #tpu.memory_space<vmem>> -> memref<1x200x128xi32, #tpu.memory_space<vmem>>
      %dma_start3A_1623 = tpu.memref_squeeze %dma_start3A_1622 : memref<1x200x128xi32, #tpu.memory_space<vmem>> -> memref<200x128xi32, #tpu.memory_space<vmem>>
      tpu.enqueue_dma source(%dma_start3A_1623 : memref<200x128xi32, #tpu.memory_space<vmem>>) target(%dma_start3A_1619 : memref<200x128xi32, #tpu.memory_space<hbm>>) target_semaphore(%arg7 : memref<!tpu.dma_semaphore, #tpu.memory_space<semaphore_mem>>)
    }
    %scan3A_611 = arith.constant 25 : i32
    %dma_wait3A_612 = arith.constant 0 : i32
    %dma_wait3A_613 = arith.constant 0 : i32
    %dma_wait3A_614 = arith.constant 0 : i32
    %dma_wait3A_615 = tpu.memref_slice %arg5[%dma_wait3A_612, %dma_wait3A_613, %dma_wait3A_614] : memref<2x200x128xi32, #tpu.memory_space<vmem>> -> memref<1x200x128xi32, #tpu.memory_space<vmem>>
    %dma_wait3A_616 = tpu.memref_squeeze %dma_wait3A_615 : memref<1x200x128xi32, #tpu.memory_space<vmem>> -> memref<200x128xi32, #tpu.memory_space<vmem>>
    %dma_wait3A_617 = arith.constant 0 : i32
    %dma_wait3A_618 = arith.constant 0 : i32
    %dma_wait3A_619 = tpu.memref_slice %arg3[%dma_wait3A_617, %dma_wait3A_618] : memref<2600x16384xi32, #tpu.memory_space<hbm>> -> memref<200x128xi32, #tpu.memory_space<hbm>>
    %dma_wait3A_620 = arith.constant 0 : i32
    %dma_wait3A_621 = arith.constant 0 : i32
    %dma_wait3A_622 = tpu.memref_slice %arg3[%dma_wait3A_620, %dma_wait3A_621] : memref<2600x16384xi32, #tpu.memory_space<hbm>> -> memref<200x128xi32, #tpu.memory_space<hbm>>
    %dma_wait3A_623 = arith.constant 0 : i32
    %dma_wait3A_624 = arith.constant 0 : i32
    %dma_wait3A_625 = tpu.memref_slice %arg5[%dma_wait3A_612, %dma_wait3A_623, %dma_wait3A_624] : memref<2x200x128xi32, #tpu.memory_space<vmem>> -> memref<1x200x128xi32, #tpu.memory_space<vmem>>
    %dma_wait3A_626 = tpu.memref_squeeze %dma_wait3A_625 : memref<1x200x128xi32, #tpu.memory_space<vmem>> -> memref<200x128xi32, #tpu.memory_space<vmem>>
    tpu.wait_dma2 semaphore(%arg6 : memref<!tpu.dma_semaphore, #tpu.memory_space<semaphore_mem>>) src(%dma_wait3A_626 : memref<200x128xi32, #tpu.memory_space<vmem>>) dst(%dma_wait3A_622 : memref<200x128xi32, #tpu.memory_space<hbm>>)
    %dma_wait3A_627 = arith.constant 1 : i32
    %dma_wait3A_628 = arith.constant 0 : i32
    %dma_wait3A_629 = arith.constant 0 : i32
    %dma_wait3A_630 = tpu.memref_slice %arg5[%dma_wait3A_627, %dma_wait3A_628, %dma_wait3A_629] : memref<2x200x128xi32, #tpu.memory_space<vmem>> -> memref<1x200x128xi32, #tpu.memory_space<vmem>>
    %dma_wait3A_631 = tpu.memref_squeeze %dma_wait3A_630 : memref<1x200x128xi32, #tpu.memory_space<vmem>> -> memref<200x128xi32, #tpu.memory_space<vmem>>
    %dma_wait3A_632 = arith.constant 0 : i32
    %dma_wait3A_633 = arith.constant 0 : i32
    %dma_wait3A_634 = tpu.memref_slice %arg3[%dma_wait3A_632, %dma_wait3A_633] : memref<2600x16384xi32, #tpu.memory_space<hbm>> -> memref<200x128xi32, #tpu.memory_space<hbm>>
    %dma_wait3A_635 = arith.constant 0 : i32
    %dma_wait3A_636 = arith.constant 0 : i32
    %dma_wait3A_637 = tpu.memref_slice %arg3[%dma_wait3A_635, %dma_wait3A_636] : memref<2600x16384xi32, #tpu.memory_space<hbm>> -> memref<200x128xi32, #tpu.memory_space<hbm>>
    %dma_wait3A_638 = arith.constant 0 : i32
    %dma_wait3A_639 = arith.constant 0 : i32
    %dma_wait3A_640 = tpu.memref_slice %arg5[%dma_wait3A_627, %dma_wait3A_638, %dma_wait3A_639] : memref<2x200x128xi32, #tpu.memory_space<vmem>> -> memref<1x200x128xi32, #tpu.memory_space<vmem>>
    %dma_wait3A_641 = tpu.memref_squeeze %dma_wait3A_640 : memref<1x200x128xi32, #tpu.memory_space<vmem>> -> memref<200x128xi32, #tpu.memory_space<vmem>>
    tpu.wait_dma2 semaphore(%arg7 : memref<!tpu.dma_semaphore, #tpu.memory_space<semaphore_mem>>) src(%dma_wait3A_641 : memref<200x128xi32, #tpu.memory_space<vmem>>) dst(%dma_wait3A_637 : memref<200x128xi32, #tpu.memory_space<hbm>>)
    return
  }
}

</mosaic_0001>

<sc_bundles>
// kernel: _run.3.cloned.1.call-start
scs
__scs_entry_jumppad:
0x0: {  	(pc) =	sbr.rel $0x88, $3  }
0x1: {  	(tag) =	ssettag $0x0;
	lr =	simm.s32 $0x1  }
0x2: {  	[smem:$0x3FA0] =	sst lr;
	_ =	strace $0xD0000000  }
0x3: {  	_ = 	snop  }
0x4: {  	_ = 	snop  }
0x5: {  	_ = 	snop  }
0x6: {  	_ = 	snop  }
0x7: {  	_ = 	snop  }
__scs_overlays_trampoline_lowered:
0x8: {  	[smem:$0x3FAF] =	sst s0  }
0x9: {  	[smem:$0x3FB0] =	sst s1  }
0xa: {  	[smem:$0x3FB1] =	sst s2  }
0xb: {  	[smem:$0x3FB2] =	sst s3  }
0xc: {  	[smem:$0x3FB3] =	sst s4  }
0xd: {  	[smem:$0x3FB4] =	sst s5  }
0xe: {  	[smem:$0x3FB5] =	sst s6  }
0xf: {  	[smem:$0x3FB6] =	sst s7  }
0x10: {  	[smem:$0x3FB7] =	sst s8  }
0x11: {  	[smem:$0x3FB8] =	sst s9;
	s0 =	simm.s32 @!p0 $0x0  }
0x12: {  	s1 =	sld [smem:$0x3F9E];
	s0 =	simm.s32 @p0 $0x1  }
0x13: {  	[smem:$0x3FB9] =	sst s0;
	s0 =	simm.s32 @!p1 $0x0  }
0x14: {  	s2 =	sld [smem:$0x3F9D];
	s0 =	simm.s32 @p1 $0x1  }
0x15: {  	[smem:$0x3FBA] =	sst s0;
	s0 =	simm.s32 @!p2 $0x0  }
0x16: {  	s3 =	sld [smem:$0x3FDB];
	s0 =	simm.s32 @p2 $0x1  }
0x17: {  	s4 =	simm.s32 $0x1BF5;
	[smem:$0x3FBC] =	sst s0  }
0x18: {  	s0 =	sld [smem:$0x3F9F];
	_ =	swait.ge [sflag:s4], $0x0  }
0x19: {  	s7 =	sld [smem:$0x3FA0]  }
0x1a: {  	s8 =	sadd.s32 $0xFFFFE003, lr  }
0x1b: {  	s9 =	sadd.s32 $0xFFFFFEF7, lr;
	s5 =	simm.s32 $0xFFFFFFFF;
	p2 =	slt.u32 s8, $0xFFFFF086  }
0x1c: {  	p1 =	slt.u32 s9, $0xF7A;
	s5 =	simm.s32 @!p2 $0x0  }
0x1d: {  	s5 =	simm.s32 @p1 $0x1;
	p0 =	seq.s32 s7, s2  }
0x1e: {  	s7 =	smul.u32 @!p0 $0xF7A, s2;
	p2 =	seq.s32 @!p0 s5, $0x0  }
0x1f: {  	s9 =	smul.u32 $0xF7A, s1;
	s8 =	simm.s32 @!p0 $0x1BF5;
	p2 =	por !p2, p0  }
0x20: {  	[sflag:s8] =	ssyncset.s32 @!p0 $0xFFFFF086;
	s6 =	sadd.s32 @!p0 s3, s7;
	s7 =	simm.s32 @!p0 $0x108  }
0x21: {  	s3 =	sadd.s32 s3, s9;
	s6 =	sadd.s32 @!p0 $0x88, s6;
	s7 =	simm.s32 @p2 $0x1082  }
0x22: {  	[simem:s7], [sflag:s8] =	dma.local @!p0 [hbm:s6], $0xF7A  }
0x23: {  	s9 =	sor.u32 $0xD0000000, s2;
	s6 =	simm.s32 $0x108;
	_ =	swait.ge @!p0 [sflag:s8], $0x0  }
0x24: {  	s3 =	sadd.s32 $0x88, s3;
	s6 =	simm.s32 @!p1 $0x1082;
	[sflag:s4] =	ssyncset.s32 $0xFFFFF086  }
0x25: {  	[simem:s6], [sflag:s4] =	dma.local [hbm:s3], $0xF7A  }
0x26: {  	[smem:$0x3FA0] =	sst s1;
	(tag) =	ssettag s2;
	_ =	strace s9  }
0x27: {  	s1 =	sld [smem:$0x3FB0]  }
0x28: {  	s2 =	sld [smem:$0x3FB1]  }
0x29: {  	s4 =	sld [smem:$0x3FB3]  }
0x2a: {  	p0 =	seq.s32 s5, $0x0;
	s5 =	sld [smem:$0x3FB4]  }
0x2b: {  	s6 =	sld [smem:$0x3FB5]  }
0x2c: {  	s7 =	sld [smem:$0x3FB6]  }
0x2d: {  	s3 =	simm.s32 $0x108;
	s8 =	sld [smem:$0x3FB7]  }
0x2e: {  	s3 =	simm.s32 @!p0 $0x1082;
	s9 =	sld [smem:$0x3FB8]  }
0x2f: {  	lr =	sadd.s32 s0, s3;
	s0 =	sld [smem:$0x3FAF]  }
0x30: {  	s3 =	sld [smem:$0x3FB2]  }
0x31: {  	[smem:$0x3FBB] =	sst s10  }
0x32: {  	s10 =	sld [smem:$0x3FB9];
	_ =	sdelay $0x3  }
0x33: {  	p0 =	seq.s32 s10, $0x1;
	s10 =	sld [smem:$0x3FBB];
	_ =	sdelay $0x3  }
0x34: {  	[smem:$0x3FBB] =	sst s10  }
0x35: {  	s10 =	sld [smem:$0x3FBA];
	_ =	sdelay $0x3  }
0x36: {  	p1 =	seq.s32 s10, $0x1;
	s10 =	sld [smem:$0x3FBB];
	_ =	sdelay $0x3  }
0x37: {  	[smem:$0x3FBB] =	sst s10  }
0x38: {  	s10 =	sld [smem:$0x3FBC]  }
0x39: {  	_ = 	snop;
	(pc) =	sbr.ind lr, $3  }
0x3a: {  	_ = 	snop  }
0x3b: {  	_ = 	snop  }
0x3c: {  	p2 =	seq.s32 s10, $0x1;
	s10 =	sld [smem:$0x3FBB]  }
0x3d: {  	_ =	shalt  }
0x3e: {  	_ =	shalt  }
0x3f: {  	_ =	shalt  }
0x40: {  	_ =	shalt  }
0x41: {  	_ =	shalt  }
0x42: {  	_ =	shalt  }
0x43: {  	_ =	shalt  }
0x44: {  	_ =	shalt  }
0x45: {  	_ =	shalt  }
0x46: {  	_ =	shalt  }
0x47: {  	_ =	shalt  }
0x48: {  	_ =	shalt  }
0x49: {  	_ =	shalt  }
0x4a: {  	_ =	shalt  }
0x4b: {  	_ =	shalt  }
0x4c: {  	_ =	shalt  }
0x4d: {  	_ =	shalt  }
0x4e: {  	_ =	shalt  }
0x4f: {  	_ =	shalt  }
0x50: {  	_ =	shalt  }
0x51: {  	_ =	shalt  }
0x52: {  	_ =	shalt  }
0x53: {  	_ =	shalt  }
0x54: {  	_ =	shalt  }
0x55: {  	_ =	shalt  }
0x56: {  	_ =	shalt  }
0x57: {  	_ =	shalt  }
0x58: {  	_ =	shalt  }
0x59: {  	_ =	shalt  }
0x5a: {  	_ =	shalt  }
0x5b: {  	_ =	shalt  }
0x5c: {  	_ =	shalt  }
0x5d: {  	_ =	shalt  }
0x5e: {  	_ =	shalt  }
0x5f: {  	_ =	shalt  }
0x60: {  	_ =	shalt  }
0x61: {  	_ =	shalt  }
0x62: {  	_ =	shalt  }
0x63: {  	_ =	shalt  }
0x64: {  	_ =	shalt  }
0x65: {  	_ =	shalt  }
0x66: {  	_ =	shalt  }
0x67: {  	_ =	shalt  }
0x68: {  	_ =	shalt  }
0x69: {  	_ =	shalt  }
0x6a: {  	_ =	shalt  }
0x6b: {  	_ =	shalt  }
0x6c: {  	_ =	shalt  }
0x6d: {  	_ =	shalt  }
0x6e: {  	_ =	shalt  }
0x6f: {  	_ =	shalt  }
0x70: {  	_ =	shalt  }
0x71: {  	_ =	shalt  }
0x72: {  	_ =	shalt  }
0x73: {  	_ =	shalt  }
0x74: {  	_ =	shalt  }
0x75: {  	_ =	shalt  }
0x76: {  	_ =	shalt  }
0x77: {  	_ =	shalt  }
0x78: {  	_ =	shalt  }
0x79: {  	_ =	shalt  }
0x7a: {  	_ =	shalt  }
0x7b: {  	_ =	shalt  }
0x7c: {  	_ =	shalt  }
0x7d: {  	_ =	shalt  }
0x7e: {  	_ =	shalt  }
0x7f: {  	_ =	shalt  }
0x80: {  	_ =	shalt  }
0x81: {  	_ =	shalt  }
0x82: {  	_ =	shalt  }
0x83: {  	_ =	shalt  }
0x84: {  	_ =	shalt  }
0x85: {  	_ =	shalt  }
0x86: {  	_ =	shalt  }
0x87: {  	_ =	shalt  }
.Lfunc_end0:
.L_simem_size_0:
called_computation_lowered:
.L_overlay_start_0:
0x88: {  	s2 =	sld [smem:$0x3FD9]  }
0x89: {  	s3 =	sld [smem:$0x3FFE];
	_ =	sdelay $0x1  }
0x8a: {  	s1 =	srdreg.scid  }
0x8b: {  	s0 =	sand.u32 $0x1, s1  }
0x8c: {  	s18 =	sshll.u32 s0, $0xA;
	s2 =	sadd.s32 s3, s2  }
0x8d: {  	s2 =	sadd.s32 s2, s18  }
0x8e: {  	[smem:$0x3FC7] =	sst s2  }
0x8f: {  	_ = 	snop  }
0x90: {  	s2 =	sld [smem:$0x3FC9]  }
0x91: {  	s19 =	sld [smem:$0x3FD0];
	(tm) =	ssettm $0x1  }
0x92: {  	s4 =	sld [smem:$0x3FFB];
	_ =	sdelay $0x3  }
0x93: {  	_ =	strace s4  }
0x94: {  	s4 =	sld [smem:$0x3FFC];
	_ =	sdelay $0x3  }
0x95: {  	_ =	strace s4  }
0x96: {  	s4 =	sld [smem:$0x3FFD];
	_ =	sdelay $0x3  }
0x97: {  	_ =	strace s4  }
0x98: {  	_ =	strace $0x8FFFFFFF  }
0x99: {  	s20 =	sld [smem:$0x3FDB];
	_ =	sdelay $0x1  }
0x9a: {  	s5 =	simm.s32 $_scs_section_size  }
0x9b: {  	s6 =	simm.s32 $_size__tile_overlayer_lowered;
	s7 =	simm.s32 $_tile_overlayer_lowered  }
0x9c: {  	s23 =	simm.s32 $0x1BFF;
	s22 =	sshll.u32 s7, $0x1;
	s4 =	sadd.s32 s5, s20  }
0x9d: {  	s8 =	simm.s32 $0x0;
	s21 =	sshll.u32 s6, $0x1;
	s6 =	sadd.s32 s22, s4  }
0x9e: {  	[timem:s8], [sflag:s23] =	dma.local [hbm:s6], s21  }
0x9f: {  	_ =	swait.ge [sflag:s23], s21  }
0xa0: {  	s5 =	ssub.s32 $0x0, s21;
	[sflag:s23] =	ssyncset.done $0x0  }
0xa1: {  	[sflag:s23] =	ssyncadd.s32 s5;
	_ =	sdelay $0x1  }
0xa2: {  	s24 =	simm.s32 $0x1B8B  }
0xa3: {  	_ =	swait.ge [sflag:s24], $0x1  }
0xa4: {  	[sflag:s24] =	ssyncset.done $0x0  }
0xa5: {  	s25 =	simm.s32 $0x1B8E;
	[sflag:s24] =	ssyncadd.s32 $0xFFFFFFFF  }
0xa6: {  	s26 =	simm.s32 $execute0_lowered;
	[smem:$0x3FD2] =	sst s25  }
0xa7: {  	s5 =	sshll.u32 s26, $0x1;
	_ =	strace $0x80000046;
	[dreg:$0x1] =	wrdreg $0xFFFFFFFF  }
0xa8: {  	s28 =	simm.s32 $_size_execute0_lowered;
	s4 =	sadd.s32 s4, s5;
	[dreg:$0x0] =	wrdreg $0x0  }
0xa9: {  	s5 =	sshll.u32 s28, $0x1;
	[dreg:$0x2] =	wrdreg s4  }
0xaa: {  	[dreg:$0x3] =	wrdreg s5  }
0xab: {  	[dreg:$0x4] =	wrdreg $0xC0  }
0xac: {  	_ =	task [dreg:s8], $0x5FFFF  }
0xad: {  	[dreg:$0x1] =	wrdreg $0xFFFFFFFF  }
0xae: {  	[dreg:$0x0] =	wrdreg $0x60  }
0xaf: {  	[dreg:$0x2] =	wrdreg s2  }
0xb0: {  	[dreg:$0x3] =	wrdreg s19  }
0xb1: {  	[dreg:$0x4] =	wrdreg $0x9  }
0xb2: {  	_ =	task.clear_ibuf [dreg:s8], $0x5FFFF;
	_ =	strace $0x90000046  }
0xb3: {  	s29 =	simm.s32 $0x9;
	_ =	strace $0x80000048  }
0xb4: {  	_ =	swait.ge [sflag:s29], $0x1  }
0xb5: {  	[sflag:s29] =	ssyncadd.s32 $0xFFFFFFFF  }
0xb6: {  	_ =	strace $0x90000048  }
0xb7: {  	_ =	sfence  }
0xb8: {  	s30 =	sld [smem:$0x0];
	_ =	sdelay $0x2  }
0xb9: {  	s31 =	sshll.u32 s1, $0xD;
	s1 =	sshrl.u32 s1, $0x2  }
0xba: {  	s3 =	sand.u32 $0x4000, s31;
	s1 =	sadd.s32 s1, s30  }
0xbb: {  	s0 =	sor.u32 s3, s0;
	s1 =	sshll.u32 s1, $0x11  }
0xbc: {  	s0 =	sor.u32 s1, s0  }
0xbd: {  	s0 =	sadd.s32 $0x8F2B, s0  }
0xbe: {  	[sflag:s0] =	ssyncadd.remote.s32 $0x1  }
0xbf: {  	_ =	sfence.sel $0xFFFF  }
0xc0: {  	[dreg:$0x0] =	wrdreg $0xFFFFFFFF;
	(pc) =	sbr.abs _section_cstart, $3  }
0xc1: {  	[dreg:$0x1] =	wrdreg $0xFFFFFFFF  }
0xc2: {  	_ =	task.clear_ibuf [dreg:s8], $0x2FFFF;
	_ =	strace $0x9FFFFFFF  }
0xc3: {  	(tm) =	ssettm $0x7FFFFFFF  }
tec
execute0_lowered:
.L_overlay_start_1:
0x0: {  	(tag) =	ssettag $0x1  }
0x1: {  	v1 =	vlaneseq.u32  }
0x2: {  	vm0 =	vcmask $0x300;
	v3 =	vor.u32 $0x10, v1  }
0x3: {  	v4 =	vor.u32 $0x20, v1;
	v5 =	vor.u32 $0x30, v1;
	v10 =	vor.u32 $0x80, v1  }
0x4: {  	v6 =	vor.u32 $0x40, v1;
	v7 =	vor.u32 $0x50, v1;
	[tilespmem:$0x1FEE0] =	vst v10;
	v10 =	vor.u32 $0x90, v1  }
0x5: {  	s0 =	rddreg [dreg:$0x0];
	s2 =	simm.s32 $0x0;
	v8 =	vor.u32 $0x60, v1;
	v9 =	vor.u32 $0x70, v1;
	[tilespmem:$0x1FEF0] =	vst v10;
	v10 =	vor.u32 $0xA0, v1  }
0x6: {  	v11 =	vor.u32 $0x3200, v1;
	[smem:$0x7FF] =	sst s2;
	v13 =	vor.u32 $0x3210, v1;
	[tilespmem:$0x1FF00] =	vst v10;
	v10 =	vor.u32 $0xB0, v1  }
0x7: {  	s1 =	rddreg [dreg:$0x1];
	s3 =	srdreg.scid;
	v15 =	vor.u32 $0x3220, v1;
	v17 =	vor.u32 $0x3230, v1;
	_ =	strace $0x80000047;
	[tilespmem:$0x1FF10] =	vst v10;
	v10 =	vor.u32 $0xC0, v1  }
0x8: {  	s3 =	sand.u32 $0x1, s3;
	v19 =	vor.u32 $0x3240, v1;
	v21 =	vor.u32 $0x3250, v1;
	[tilespmem:$0x1FF20] =	vst v10;
	v10 =	vor.u32 $0xD0, v1  }
0x9: {  	s6 =	stileid.u32;
	v23 =	vor.u32 $0x3260, v1;
	v25 =	vor.u32 $0x3270, v1;
	s4 =	ssub.s32 $0x2, s3;
	s3 =	sshll.u32 s3, $0x4;
	[tilespmem:$0x1FF30] =	vst v10;
	v10 =	vor.u32 $0xE0, v1  }
0xa: {  	s28 =	simm.s32 $0x400;
	v27 =	vor.u32 $0x6400, v1;
	v29 =	vor.u32 $0x6410, v1;
	s5 =	sshrl.u32 s4, $0x1;
	s3 =	sor.u32 s6, s3;
	[tilespmem:$0x1FF40] =	vst v10;
	v10 =	vor.u32 $0xF0, v1  }
0xb: {  	s29 =	simm.s32 $0x0;
	v31 =	vor.u32 $0x6420, v1;
	v33 =	vor.u32 $0x6430, v1;
	s7 =	ssub.s32 s4, s5;
	s8 =	sshll.u32 s3, $0x7;
	[tilespmem:$0x1FF50] =	vst v10;
	v10 =	vor.u32 $0x400, v1  }
0xc: {  	v35 =	vor.u32 $0x6440, v1;
	v37 =	vor.u32 $0x6450, v1;
	s5 =	sshll.u32 s3, $0xA;
	s3 =	simm.s32 $0x4000;
	s4 =	sadd.s32 s0, s8;
	[tilespmem:$0x1FF60] =	vst v10;
	v10 =	vor.u32 $0x410, v1  }
0xd: {  	v39 =	vor.u32 $0x6460, v1;
	v41 =	vor.u32 $0x6470, v1;
	s24 =	sor.u32 $0x1000, s8;
	s30 =	sadd.s32 s1, s8;
	s11 =	smax.u32 s7, $0x1;
	[tilespmem:$0x1FF70] =	vst v10;
	v10 =	vor.u32 $0x420, v1  }
0xe: {  	v43 =	vor.u32 $0x9600, v1;
	v45 =	vor.u32 $0x9610, v1;
	s6 =	sadd.s32 s0, s24;
	s25 =	sadd.s32 $0x2000, s4;
	s26 =	sadd.s32 $0x3000, s4;
	[tilespmem:$0x1FF80] =	vst v10;
	v10 =	vor.u32 $0x430, v1  }
0xf: {  	v46 =	vor.u32 $0x4A0, v1;
	v47 =	vor.u32 $0x9620, v1;
	[dreg:$0x5] =	wrdreg s30;
	s31 =	sadd.s32 s1, s24;
	s12 =	sadd.s32 $0x4000, s4;
	[tilespmem:$0x1FF90] =	vst v10;
	v10 =	vor.u32 $0x440, v1  }
0x10: {  	v0 =	vimm.s32 $0x0;
	v48 =	vor.u32 $0x4B0, v1;
	s13 =	sadd.s32 $0x8000, s4;
	s14 =	sadd.s32 $0xC000, s4;
	s18 =	sadd.s32 $0x6000, s4;
	[tilespmem:$0x1FFA0] =	vst v10;
	v10 =	vor.u32 $0x450, v1  }
0x11: {  	v2 =	vimm.s32 $0x1;
	v49 =	vor.u32 $0x9630, v1;
	s19 =	sadd.s32 $0xA000, s4;
	s20 =	sadd.s32 $0xE000, s4;
	s21 =	sadd.s32 $0x7000, s4;
	[tilespmem:$0x1FFB0] =	vst v10;
	v10 =	vor.u32 $0x460, v1  }
0x12: {  	v50 =	vor.u32 $0x4C0, v1;
	v51 =	vor.u32 $0x9640, v1;
	s22 =	sadd.s32 $0xB000, s4;
	s23 =	sadd.s32 $0xF000, s4;
	[dreg:$0x3] =	wrdreg s25;
	[tilespmem:$0x1FFC0] =	vst v10;
	v10 =	vor.u32 $0x470, v1  }
0x13: {  	v52 =	vor.u32 $0x4D0, v1;
	v53 =	vor.u32 $0x9650, v1;
	s0 =	simm.s32 $0x1;
	s24 =	simm.s32 $0x20000;
	[dreg:$0x4] =	wrdreg s26;
	[tilespmem:$0x1FFD0] =	vst v10;
	v10 =	vor.u32 $0x480, v1  }
0x14: {  	v54 =	vor.u32 $0x4E0, v1;
	v55 =	vor.u32 $0x9660, v1;
	[dreg:$0x6] =	wrdreg s31;
	s15 =	sadd.s32 $0x4000, s6;
	s16 =	sadd.s32 $0x8000, s6;
	[tilespmem:$0x1FFE0] =	vst v10;
	v10 =	vor.u32 $0x490, v1  }
0x15: {  	v56 =	vor.u32 $0x4F0, v1;
	v57 =	vor.u32 $0x9670, v1;
	v58 =	vsel vm0, $0xA, v0;
	s17 =	sadd.s32 $0xC000, s6;
	s25 =	simm.s32 $0xA400;
	s26 =	simm.s32 $0x2;
	[tilespmem:$0x1FFF0] =	vst v10  }
.LBB2_1:
0x16: {  	[tilespmem:s2], [sflag:$0x1] =	stream.linear.gather [hbm4b:s4+s2], $0x400, $0x38;
	[tilespmem:$0x10800] =	vst v63  }
0x17: {  	s7 =	simm.s32 $0x1000  }
0x18: {  	[tilespmem:s7], [sflag:$0x1] =	stream.linear.gather [hbm4b:s12+s2], $0x400, $0x38;
	[tilespmem:$0x10800] =	vst v63  }
0x19: {  	s9 =	simm.s32 $0x2000  }
0x1a: {  	[tilespmem:s9], [sflag:$0x1] =	stream.linear.gather [hbm4b:s13+s2], $0x400, $0x38;
	[tilespmem:$0x10800] =	vst v63  }
0x1b: {  	s10 =	simm.s32 $0x3000  }
0x1c: {  	[tilespmem:s10], [sflag:$0x1] =	stream.linear.gather [hbm4b:s14+s2], $0x400, $0x38;
	[tilespmem:$0x10800] =	vst v63  }
0x1d: {  	_ = 	snop  }
0x1e: {  	[tilespmem:s28], [sflag:$0x1] =	stream.linear.gather [hbm4b:s6+s2], $0x400, $0x38;
	[tilespmem:$0x10800] =	vst v63  }
0x1f: {  	s30 =	simm.s32 $0x1400  }
0x20: {  	[tilespmem:s30], [sflag:$0x1] =	stream.linear.gather [hbm4b:s15+s2], $0x400, $0x38;
	[tilespmem:$0x10800] =	vst v63  }
0x21: {  	s31 =	simm.s32 $0x2400  }
0x22: {  	[tilespmem:s31], [sflag:$0x1] =	stream.linear.gather [hbm4b:s16+s2], $0x400, $0x38;
	[tilespmem:$0x10800] =	vst v63  }
0x23: {  	s8 =	simm.s32 $0x3400  }
0x24: {  	[tilespmem:s8], [sflag:$0x1] =	stream.linear.gather [hbm4b:s17+s2], $0x400, $0x38;
	[tilespmem:$0x10800] =	vst v63  }
0x25: {  	s9 =	rddreg [dreg:$0x3];
	s8 =	simm.s32 $0x800  }
0x26: {  	[tilespmem:s8], [sflag:$0x1] =	stream.linear.gather [hbm4b:s9+s2], $0x400, $0x38;
	[tilespmem:$0x10800] =	vst v63  }
0x27: {  	s10 =	simm.s32 $0x1800  }
0x28: {  	[tilespmem:s10], [sflag:$0x1] =	stream.linear.gather [hbm4b:s18+s2], $0x400, $0x38;
	[tilespmem:$0x10800] =	vst v63  }
0x29: {  	s30 =	simm.s32 $0x2800  }
0x2a: {  	[tilespmem:s30], [sflag:$0x1] =	stream.linear.gather [hbm4b:s19+s2], $0x400, $0x38;
	[tilespmem:$0x10800] =	vst v63  }
0x2b: {  	s31 =	simm.s32 $0x3800  }
0x2c: {  	[tilespmem:s31], [sflag:$0x1] =	stream.linear.gather [hbm4b:s20+s2], $0x400, $0x38;
	[tilespmem:$0x10800] =	vst v63  }
0x2d: {  	s8 =	rddreg [dreg:$0x4];
	s9 =	simm.s32 $0xC00  }
0x2e: {  	[tilespmem:s9], [sflag:$0x1] =	stream.linear.gather [hbm4b:s8+s2], $0x400, $0x38;
	[tilespmem:$0x10800] =	vst v63  }
0x2f: {  	s10 =	simm.s32 $0x1C00  }
0x30: {  	[tilespmem:s10], [sflag:$0x1] =	stream.linear.gather [hbm4b:s21+s2], $0x400, $0x38;
	[tilespmem:$0x10800] =	vst v63  }
0x31: {  	s30 =	simm.s32 $0x2C00  }
0x32: {  	[tilespmem:s30], [sflag:$0x1] =	stream.linear.gather [hbm4b:s22+s2], $0x400, $0x38;
	[tilespmem:$0x10800] =	vst v63  }
0x33: {  	s7 =	simm.s32 $0x0;
	s31 =	simm.s32 $0x3C00  }
0x34: {  	[tilespmem:s31], [sflag:$0x1] =	stream.linear.gather [hbm4b:s23+s2], $0x400, $0x38;
	[tilespmem:$0x10800] =	vst v63  }
.LBB2_2:
0x35: {  	p0 =	sne.s32 s7, $0x63F0  }
.Ltmp0:
0x36: {  	_ = 	snop;
	(pc) =	sbr.rel @p0 .LBB2_2-.Ltmp0, $3  }
0x37: {  	_ =	sdelay $0x1  }
0x38: {  	s8 =	sand.u32 $0x7FF0, s7  }
0x39: {  	s7 =	sadd.s32 $0x10, s7;
	[tilespmem:s8+$0x4000] =	vst v0  }
0x3a: {  	s8 =	simm.s32 $0x0  }
0x3b: {  	s7 =	simm.s32 $0x10;
	s8 =	sand.u32 $0x7FF0, s8  }
.LBB2_4:
0x3c: {  	p0 =	sne.s32 s7, $0x63F0;
	[tilespmem:s8+$0xA400] =	vst v0;
	s8 =	smov.u32 s7;
	s7 =	sadd.s32 $0x10, s7  }
.Ltmp1:
0x3d: {  	(pc) =	sbr.rel @p0 .LBB2_4-.Ltmp1, $2  }
0x3e: {  	_ =	sdelay $0x2  }
0x3f: {  	s8 =	sand.u32 $0x7FF0, s8  }
0x40: {  	[tilespmem:s8+$0xA400] =	vst v0  }
0x41: {  	_ =	swait.ge [sflag:s0], $0x1000  }
0x42: {  	[sflag:s0] =	ssyncset.done $0x0  }
0x43: {  	[sflag:s0] =	ssyncadd.s32 $0xFFFFF000  }
0x44: {  	_ =	swait.ge [sflag:s0], $0x1000  }
0x45: {  	[sflag:s0] =	ssyncset.done $0x0  }
0x46: {  	[sflag:s0] =	ssyncadd.s32 $0xFFFFF000  }
0x47: {  	_ =	swait.ge [sflag:s0], $0x1000  }
0x48: {  	[sflag:s0] =	ssyncset.done $0x0  }
0x49: {  	[sflag:s0] =	ssyncadd.s32 $0xFFFFF000  }
0x4a: {  	_ =	swait.ge [sflag:s0], $0x1000  }
0x4b: {  	[sflag:s0] =	ssyncset.done $0x0  }
0x4c: {  	s7 =	simm.s32 $0x0;
	[sflag:s0] =	ssyncadd.s32 $0xFFFFF000  }
0x4d: {  	v10 =	vld.idx.msk [tilespmem:v1+s7+$0x0], $0xffff;
	_ =	sdelay $0x4  }
0x4e: {  	v10 =	vshll.u32 v10, $0x7  }
0x4f: {  	v10 =	vor.u32 v1, v10;
	_ =	sdelay $0x4  }
0x50: {  	[tilespmem:v10+s3+$0x0] =	vst.idx.msk $0xffff, v2  }
0x51: {  	v10 =	vld.idx.msk [tilespmem:v3+s7+$0x0], $0xffff;
	_ =	sdelay $0x4  }
0x52: {  	v10 =	vshll.u32 v10, $0x7  }
0x53: {  	v10 =	vor.u32 v3, v10;
	_ =	sdelay $0x4  }
0x54: {  	[tilespmem:v10+s3+$0x0] =	vst.idx.msk $0xffff, v2  }
0x55: {  	v10 =	vld.idx.msk [tilespmem:v4+s7+$0x0], $0xffff;
	_ =	sdelay $0x4  }
0x56: {  	v10 =	vshll.u32 v10, $0x7  }
0x57: {  	v10 =	vor.u32 v4, v10;
	_ =	sdelay $0x4  }
0x58: {  	[tilespmem:v10+s3+$0x0] =	vst.idx.msk $0xffff, v2  }
0x59: {  	v10 =	vld.idx.msk [tilespmem:v5+s7+$0x0], $0xffff;
	_ =	sdelay $0x4  }
0x5a: {  	v10 =	vshll.u32 v10, $0x7  }
0x5b: {  	v10 =	vor.u32 v5, v10;
	_ =	sdelay $0x4  }
0x5c: {  	[tilespmem:v10+s3+$0x0] =	vst.idx.msk $0xffff, v2  }
0x5d: {  	v10 =	vld.idx.msk [tilespmem:v6+s7+$0x0], $0xffff;
	_ =	sdelay $0x4  }
0x5e: {  	v10 =	vshll.u32 v10, $0x7  }
0x5f: {  	v10 =	vor.u32 v6, v10;
	_ =	sdelay $0x4  }
0x60: {  	[tilespmem:v10+s3+$0x0] =	vst.idx.msk $0xffff, v2  }
0x61: {  	v10 =	vld.idx.msk [tilespmem:v7+s7+$0x0], $0xffff;
	_ =	sdelay $0x4  }
0x62: {  	v10 =	vshll.u32 v10, $0x7  }
0x63: {  	v10 =	vor.u32 v7, v10;
	_ =	sdelay $0x4  }
0x64: {  	[tilespmem:v10+s3+$0x0] =	vst.idx.msk $0xffff, v2  }
0x65: {  	v10 =	vld.idx.msk [tilespmem:v8+s7+$0x0], $0xffff;
	_ =	sdelay $0x4  }
0x66: {  	v10 =	vshll.u32 v10, $0x7  }
0x67: {  	v10 =	vor.u32 v8, v10;
	_ =	sdelay $0x4  }
0x68: {  	[tilespmem:v10+s3+$0x0] =	vst.idx.msk $0xffff, v2  }
0x69: {  	v10 =	vld.idx.msk [tilespmem:v9+s7+$0x0], $0xffff;
	_ =	sdelay $0x4  }
0x6a: {  	v10 =	vshll.u32 v10, $0x7  }
0x6b: {  	v10 =	vor.u32 v9, v10;
	_ =	sdelay $0x4  }
0x6c: {  	[tilespmem:v10+s3+$0x0] =	vst.idx.msk $0xffff, v2;
	v10 =	vld [tilespmem:$0x1FEE0];
	_ =	sdelay $0x7  }
0x6d: {  	v10 =	vld.idx.msk [tilespmem:v10+s7+$0x0], $0xffff;
	_ =	sdelay $0x4  }
0x6e: {  	v10 =	vshll.u32 v10, $0x7  }
0x6f: {  	v10 =	vadd.s32 v11, v10;
	_ =	sdelay $0x4  }
0x70: {  	[tilespmem:v10+s3+$0x0] =	vst.idx.msk $0xffff, v2;
	v10 =	vld [tilespmem:$0x1FEF0];
	_ =	sdelay $0x7  }
0x71: {  	v10 =	vld.idx.msk [tilespmem:v10+s7+$0x0], $0xffff;
	_ =	sdelay $0x4  }
0x72: {  	v10 =	vshll.u32 v10, $0x7  }
0x73: {  	v10 =	vadd.s32 v13, v10;
	_ =	sdelay $0x4  }
0x74: {  	[tilespmem:v10+s3+$0x0] =	vst.idx.msk $0xffff, v2;
	v10 =	vld [tilespmem:$0x1FF00];
	_ =	sdelay $0x7  }
0x75: {  	v10 =	vld.idx.msk [tilespmem:v10+s7+$0x0], $0xffff;
	_ =	sdelay $0x4  }
0x76: {  	v10 =	vshll.u32 v10, $0x7  }
0x77: {  	v10 =	vadd.s32 v15, v10;
	_ =	sdelay $0x4  }
0x78: {  	[tilespmem:v10+s3+$0x0] =	vst.idx.msk $0xffff, v2;
	v10 =	vld [tilespmem:$0x1FF10];
	_ =	sdelay $0x7  }
0x79: {  	v10 =	vld.idx.msk [tilespmem:v10+s7+$0x0], $0xffff;
	_ =	sdelay $0x4  }
0x7a: {  	v10 =	vshll.u32 v10, $0x7  }
0x7b: {  	v10 =	vadd.s32 v17, v10;
	_ =	sdelay $0x4  }
0x7c: {  	[tilespmem:v10+s3+$0x0] =	vst.idx.msk $0xffff, v2;
	v10 =	vld [tilespmem:$0x1FF20];
	_ =	sdelay $0x7  }
0x7d: {  	v10 =	vld.idx.msk [tilespmem:v10+s7+$0x0], $0xffff;
	_ =	sdelay $0x4  }
0x7e: {  	v10 =	vshll.u32 v10, $0x7  }
0x7f: {  	v10 =	vadd.s32 v19, v10;
	_ =	sdelay $0x4  }
0x80: {  	[tilespmem:v10+s3+$0x0] =	vst.idx.msk $0xffff, v2;
	v10 =	vld [tilespmem:$0x1FF30];
	_ =	sdelay $0x7  }
0x81: {  	v10 =	vld.idx.msk [tilespmem:v10+s7+$0x0], $0xffff;
	_ =	sdelay $0x4  }
0x82: {  	v10 =	vshll.u32 v10, $0x7  }
0x83: {  	v10 =	vadd.s32 v21, v10;
	_ =	sdelay $0x4  }
0x84: {  	[tilespmem:v10+s3+$0x0] =	vst.idx.msk $0xffff, v2;
	v10 =	vld [tilespmem:$0x1FF40];
	_ =	sdelay $0x7  }
0x85: {  	v10 =	vld.idx.msk [tilespmem:v10+s7+$0x0], $0xffff;
	_ =	sdelay $0x4  }
0x86: {  	v10 =	vshll.u32 v10, $0x7  }
0x87: {  	v10 =	vadd.s32 v23, v10;
	_ =	sdelay $0x4  }
0x88: {  	[tilespmem:v10+s3+$0x0] =	vst.idx.msk $0xffff, v2;
	v10 =	vld [tilespmem:$0x1FF50];
	_ =	sdelay $0x7  }
0x89: {  	v10 =	vld.idx.msk [tilespmem:v10+s7+$0x0], $0xffff;
	_ =	sdelay $0x4  }
0x8a: {  	v10 =	vshll.u32 v10, $0x7  }
0x8b: {  	v10 =	vadd.s32 v25, v10;
	_ =	sdelay $0x4  }
0x8c: {  	[tilespmem:v10+s3+$0x0] =	vst.idx.msk $0xffff, v2;
	v10 =	vld [tilespmem:$0x1FF60];
	_ =	sdelay $0x5  }
0x8d: {  	s9 =	rddreg [dreg:$0x5]  }
0x8e: {  	[hbm4b:s9+s28] =	stream.strided.scatter [tilespmem:s3], [sflag:$0x1], $0x6400, s24, s28, $0x38;
	[tilespmem:$0x10800] =	vst v63  }
0x8f: {  	v10 =	vld.idx.msk [tilespmem:v10+s7+$0x0], $0xffff;
	_ =	sdelay $0x4  }
0x90: {  	v10 =	vshll.u32 v10, $0x7  }
0x91: {  	v10 =	vadd.s32 v27, v10;
	_ =	sdelay $0x4  }
0x92: {  	[tilespmem:v10+s3+$0x0] =	vst.idx.msk $0xffff, v2;
	v10 =	vld [tilespmem:$0x1FF70];
	_ =	sdelay $0x7  }
0x93: {  	v10 =	vld.idx.msk [tilespmem:v10+s7+$0x0], $0xffff;
	_ =	sdelay $0x4  }
0x94: {  	v10 =	vshll.u32 v10, $0x7  }
0x95: {  	v10 =	vadd.s32 v29, v10;
	_ =	sdelay $0x4  }
0x96: {  	[tilespmem:v10+s3+$0x0] =	vst.idx.msk $0xffff, v2;
	v10 =	vld [tilespmem:$0x1FF80];
	_ =	sdelay $0x7  }
0x97: {  	v10 =	vld.idx.msk [tilespmem:v10+s7+$0x0], $0xffff;
	_ =	sdelay $0x4  }
0x98: {  	v10 =	vshll.u32 v10, $0x7  }
0x99: {  	v10 =	vadd.s32 v31, v10;
	_ =	sdelay $0x4  }
0x9a: {  	[tilespmem:v10+s3+$0x0] =	vst.idx.msk $0xffff, v2;
	v10 =	vld [tilespmem:$0x1FF90];
	_ =	sdelay $0x7  }
0x9b: {  	v10 =	vld.idx.msk [tilespmem:v10+s7+$0x0], $0xffff;
	_ =	sdelay $0x4  }
0x9c: {  	v10 =	vshll.u32 v10, $0x7  }
0x9d: {  	v10 =	vadd.s32 v33, v10;
	_ =	sdelay $0x4  }
0x9e: {  	[tilespmem:v10+s3+$0x0] =	vst.idx.msk $0xffff, v2;
	v10 =	vld [tilespmem:$0x1FFA0];
	_ =	sdelay $0x7  }
0x9f: {  	v10 =	vld.idx.msk [tilespmem:v10+s7+$0x0], $0xffff;
	_ =	sdelay $0x4  }
0xa0: {  	v10 =	vshll.u32 v10, $0x7  }
0xa1: {  	v10 =	vadd.s32 v35, v10;
	_ =	sdelay $0x4  }
0xa2: {  	[tilespmem:v10+s3+$0x0] =	vst.idx.msk $0xffff, v2;
	v10 =	vld [tilespmem:$0x1FFB0];
	_ =	sdelay $0x7  }
0xa3: {  	v10 =	vld.idx.msk [tilespmem:v10+s7+$0x0], $0xffff;
	_ =	sdelay $0x4  }
0xa4: {  	v10 =	vshll.u32 v10, $0x7  }
0xa5: {  	v10 =	vadd.s32 v37, v10;
	_ =	sdelay $0x4  }
0xa6: {  	[tilespmem:v10+s3+$0x0] =	vst.idx.msk $0xffff, v2;
	v10 =	vld [tilespmem:$0x1FFC0];
	_ =	sdelay $0x7  }
0xa7: {  	v10 =	vld.idx.msk [tilespmem:v10+s7+$0x0], $0xffff;
	_ =	sdelay $0x4  }
0xa8: {  	v10 =	vshll.u32 v10, $0x7  }
0xa9: {  	v10 =	vadd.s32 v39, v10;
	_ =	sdelay $0x4  }
0xaa: {  	[tilespmem:v10+s3+$0x0] =	vst.idx.msk $0xffff, v2;
	v10 =	vld [tilespmem:$0x1FFD0];
	_ =	sdelay $0x7  }
0xab: {  	v10 =	vld.idx.msk [tilespmem:v10+s7+$0x0], $0xffff;
	_ =	sdelay $0x4  }
0xac: {  	v10 =	vshll.u32 v10, $0x7  }
0xad: {  	v10 =	vadd.s32 v41, v10;
	_ =	sdelay $0x4  }
0xae: {  	[tilespmem:v10+s3+$0x0] =	vst.idx.msk $0xffff, v2;
	v10 =	vld [tilespmem:$0x1FFE0];
	_ =	sdelay $0x7  }
0xaf: {  	v10 =	vld.idx.msk [tilespmem:v10+s7+$0x0], $0xffff;
	_ =	sdelay $0x4  }
0xb0: {  	v10 =	vshll.u32 v10, $0x7  }
0xb1: {  	v10 =	vadd.s32 v43, v10;
	_ =	sdelay $0x4  }
0xb2: {  	[tilespmem:v10+s3+$0x0] =	vst.idx.msk $0xffff, v2;
	v10 =	vld [tilespmem:$0x1FFF0];
	_ =	sdelay $0x7  }
0xb3: {  	v10 =	vld.idx.msk [tilespmem:v10+s7+$0x0], $0xffff;
	_ =	sdelay $0x4  }
0xb4: {  	v10 =	vshll.u32 v10, $0x7  }
0xb5: {  	v10 =	vadd.s32 v45, v10;
	_ =	sdelay $0x4  }
0xb6: {  	[tilespmem:v10+s3+$0x0] =	vst.idx.msk $0xffff, v2  }
0xb7: {  	v10 =	vld.idx.msk [tilespmem:v46+s7+$0x0], $0xffff;
	_ =	sdelay $0x4  }
0xb8: {  	v10 =	vshll.u32 v10, $0x7  }
0xb9: {  	v10 =	vadd.s32 v47, v10;
	_ =	sdelay $0x4  }
0xba: {  	[tilespmem:v10+s3+$0x0] =	vst.idx.msk $0xffff, v2  }
0xbb: {  	v10 =	vld.idx.msk [tilespmem:v48+s7+$0x0], $0xffff;
	_ =	sdelay $0x4  }
0xbc: {  	v10 =	vshll.u32 v10, $0x7  }
0xbd: {  	v10 =	vadd.s32 v49, v10;
	_ =	sdelay $0x4  }
0xbe: {  	[tilespmem:v10+s3+$0x0] =	vst.idx.msk $0xffff, v2  }
0xbf: {  	v10 =	vld.idx.msk [tilespmem:v50+s7+$0x0], $0xffff;
	_ =	sdelay $0x4  }
0xc0: {  	v10 =	vshll.u32 v10, $0x7  }
0xc1: {  	v10 =	vadd.s32 v51, v10;
	_ =	sdelay $0x4  }
0xc2: {  	[tilespmem:v10+s3+$0x0] =	vst.idx.msk $0xffff, v2  }
0xc3: {  	v10 =	vld.idx.msk [tilespmem:v52+s7+$0x0], $0xffff;
	_ =	sdelay $0x4  }
0xc4: {  	v10 =	vshll.u32 v10, $0x7  }
0xc5: {  	v10 =	vadd.s32 v53, v10;
	_ =	sdelay $0x4  }
0xc6: {  	[tilespmem:v10+s3+$0x0] =	vst.idx.msk $0xffff, v2  }
0xc7: {  	v10 =	vld.idx.msk [tilespmem:v54+s7+$0x0], $0xffff;
	_ =	sdelay $0x4  }
0xc8: {  	v10 =	vshll.u32 v10, $0x7  }
0xc9: {  	v10 =	vadd.s32 v55, v10;
	_ =	sdelay $0x4  }
0xca: {  	[tilespmem:v10+s3+$0x0] =	vst.idx.msk $0xffff, v2  }
0xcb: {  	v10 =	vld.idx.msk [tilespmem:v56+s7+$0x0], $0xffff;
	_ =	sdelay $0x4  }
0xcc: {  	v10 =	vshll.u32 v10, $0x7  }
0xcd: {  	v10 =	vadd.s32 v57, v10;
	_ =	sdelay $0x4  }
0xce: {  	s30 =	simm.s32 $0x2;
	s31 =	simm.s32 $0x0;
	s10 =	rddreg [dreg:$0x6];
	[tilespmem:v10+s3+$0x0] =	vst.idx.msk $0xffff, v2  }
0xcf: {  	[hbm4b:s10+s28] =	stream.strided.scatter [tilespmem:s25], [sflag:$0x2], $0x6400, s24, s28, $0x38;
	[tilespmem:$0x10800] =	vst v63  }
.LBB2_6:
0xd0: {  	s8 =	sand.u32 $0x100, s31  }
0xd1: {  	v10 =	vmov s7;
	v12 =	vmov s8  }
0xd2: {  	v14 =	vshll.u32 v10, $0x9;
	v10 =	vshll.u32 v10, $0x7;
	v12 =	vshrl.u32 v12, $0x7  }
0xd3: {  	v14 =	vand.u32 $0xFFFFF000, v14;
	v10 =	vand.u32 $0x300, v10;
	v12 =	vshll.u32 v12, v58  }
0xd4: {  	v14 =	vor.u32 v14, v10;
	v32 =	vbroadcast v12, $0x0  }
0xd5: {  	v59 =	vor.u32 v1, v14  }
0xd6: {  	v10 =	vor.u32 v32, v59;
	_ =	sdelay $0x1  }
0xd7: {  	_ =	swait.ge [sflag:s0], $0x6400  }
0xd8: {  	[sflag:s0] =	ssyncset.done $0x0  }
0xd9: {  	[sflag:s0] =	ssyncadd.s32 $0xFFFF9C00  }
0xda: {  	v10 =	vld.idx.msk [tilespmem:v10+s2+$0x0], $0xffff;
	_ =	sdelay $0x4  }
0xdb: {  	v10 =	vshll.u32 v10, $0x7  }
0xdc: {  	v60 =	vor.u32 v3, v14;
	v10 =	vor.u32 v1, v10  }
0xdd: {  	v12 =	vor.u32 v32, v60;
	_ =	sdelay $0x3  }
0xde: {  	[tilespmem:v10+s3+$0x0] =	vst.idx.msk $0xffff, v0  }
0xdf: {  	v10 =	vld.idx.msk [tilespmem:v12+s2+$0x0], $0xffff;
	_ =	sdelay $0x4  }
0xe0: {  	v10 =	vshll.u32 v10, $0x7  }
0xe1: {  	v61 =	vor.u32 v4, v14;
	v10 =	vor.u32 v3, v10  }
0xe2: {  	v12 =	vor.u32 v32, v61;
	_ =	sdelay $0x3  }
0xe3: {  	[tilespmem:v10+s3+$0x0] =	vst.idx.msk $0xffff, v0  }
0xe4: {  	v10 =	vld.idx.msk [tilespmem:v12+s2+$0x0], $0xffff;
	_ =	sdelay $0x4  }
0xe5: {  	v10 =	vshll.u32 v10, $0x7  }
0xe6: {  	v62 =	vor.u32 v5, v14;
	v10 =	vor.u32 v4, v10  }
0xe7: {  	v12 =	vor.u32 v32, v62;
	_ =	sdelay $0x3  }
0xe8: {  	[tilespmem:v10+s3+$0x0] =	vst.idx.msk $0xffff, v0  }
0xe9: {  	v10 =	vld.idx.msk [tilespmem:v12+s2+$0x0], $0xffff;
	_ =	sdelay $0x4  }
0xea: {  	v10 =	vshll.u32 v10, $0x7  }
0xeb: {  	v63 =	vor.u32 v6, v14;
	v10 =	vor.u32 v5, v10  }
0xec: {  	v12 =	vor.u32 v32, v63;
	_ =	sdelay $0x3  }
0xed: {  	[tilespmem:v10+s3+$0x0] =	vst.idx.msk $0xffff, v0  }
0xee: {  	v10 =	vld.idx.msk [tilespmem:v12+s2+$0x0], $0xffff;
	_ =	sdelay $0x4  }
0xef: {  	v10 =	vshll.u32 v10, $0x7  }
0xf0: {  	v12 =	vor.u32 v6, v10;
	v10 =	vor.u32 v7, v14  }
0xf1: {  	v16 =	vor.u32 v32, v10;
	_ =	sdelay $0x3  }
0xf2: {  	[tilespmem:v12+s3+$0x0] =	vst.idx.msk $0xffff, v0  }
0xf3: {  	v12 =	vld.idx.msk [tilespmem:v16+s2+$0x0], $0xffff;
	_ =	sdelay $0x4  }
0xf4: {  	v12 =	vshll.u32 v12, $0x7  }
0xf5: {  	v16 =	vor.u32 v7, v12;
	v12 =	vor.u32 v8, v14  }
0xf6: {  	v18 =	vor.u32 v32, v12;
	_ =	sdelay $0x3  }
0xf7: {  	[tilespmem:v16+s3+$0x0] =	vst.idx.msk $0xffff, v0  }
0xf8: {  	v16 =	vld.idx.msk [tilespmem:v18+s2+$0x0], $0xffff;
	_ =	sdelay $0x4  }
0xf9: {  	v16 =	vshll.u32 v16, $0x7  }
0xfa: {  	v14 =	vor.u32 v9, v14;
	v16 =	vor.u32 v8, v16  }
0xfb: {  	v18 =	vor.u32 v32, v14;
	_ =	sdelay $0x3  }
0xfc: {  	[tilespmem:v16+s3+$0x0] =	vst.idx.msk $0xffff, v0  }
0xfd: {  	v16 =	vld.idx.msk [tilespmem:v18+s2+$0x0], $0xffff  }
0xfe: {  	s9 =	sor.u32 $0x1, s7  }
0xff: {  	v18 =	vmov s9  }
0x100: {  	v20 =	vshll.u32 v18, $0x9;
	v18 =	vshll.u32 v18, $0x7  }
0x101: {  	v20 =	vand.u32 $0xFFFFF000, v20;
	v18 =	vand.u32 $0x380, v18  }
0x102: {  	v30 =	vor.u32 v20, v18;
	v16 =	vshll.u32 v16, $0x7  }
0x103: {  	v18 =	vor.u32 v9, v16;
	v16 =	vor.u32 v1, v30  }
0x104: {  	v20 =	vor.u32 v32, v16;
	_ =	sdelay $0x3  }
0x105: {  	[tilespmem:v18+s3+$0x0] =	vst.idx.msk $0xffff, v0  }
0x106: {  	v18 =	vld.idx.msk [tilespmem:v20+s2+$0x0], $0xffff;
	_ =	sdelay $0x4  }
0x107: {  	v18 =	vshll.u32 v18, $0x7  }
0x108: {  	v20 =	vadd.s32 v11, v18;
	v18 =	vor.u32 v3, v30  }
0x109: {  	v22 =	vor.u32 v32, v18;
	_ =	sdelay $0x3  }
0x10a: {  	[tilespmem:v20+s3+$0x0] =	vst.idx.msk $0xffff, v0  }
0x10b: {  	v20 =	vld.idx.msk [tilespmem:v22+s2+$0x0], $0xffff;
	_ =	sdelay $0x4  }
0x10c: {  	v20 =	vshll.u32 v20, $0x7  }
0x10d: {  	v22 =	vadd.s32 v13, v20;
	v20 =	vor.u32 v4, v30  }
0x10e: {  	v24 =	vor.u32 v32, v20;
	_ =	sdelay $0x3  }
0x10f: {  	[tilespmem:v22+s3+$0x0] =	vst.idx.msk $0xffff, v0  }
0x110: {  	v22 =	vld.idx.msk [tilespmem:v24+s2+$0x0], $0xffff;
	_ =	sdelay $0x4  }
0x111: {  	v22 =	vshll.u32 v22, $0x7  }
0x112: {  	v24 =	vadd.s32 v15, v22;
	v22 =	vor.u32 v5, v30  }
0x113: {  	v26 =	vor.u32 v32, v22;
	_ =	sdelay $0x3  }
0x114: {  	[tilespmem:v24+s3+$0x0] =	vst.idx.msk $0xffff, v0  }
0x115: {  	v24 =	vld.idx.msk [tilespmem:v26+s2+$0x0], $0xffff;
	_ =	sdelay $0x4  }
0x116: {  	v24 =	vshll.u32 v24, $0x7  }
0x117: {  	v26 =	vadd.s32 v17, v24;
	v24 =	vor.u32 v6, v30  }
0x118: {  	v28 =	vor.u32 v32, v24;
	_ =	sdelay $0x3  }
0x119: {  	[tilespmem:v26+s3+$0x0] =	vst.idx.msk $0xffff, v0  }
0x11a: {  	v26 =	vld.idx.msk [tilespmem:v28+s2+$0x0], $0xffff;
	_ =	sdelay $0x4  }
0x11b: {  	v26 =	vshll.u32 v26, $0x7  }
0x11c: {  	v28 =	vadd.s32 v19, v26;
	v26 =	vor.u32 v7, v30  }
0x11d: {  	v34 =	vor.u32 v32, v26;
	_ =	sdelay $0x3  }
0x11e: {  	[tilespmem:v28+s3+$0x0] =	vst.idx.msk $0xffff, v0  }
0x11f: {  	v28 =	vld.idx.msk [tilespmem:v34+s2+$0x0], $0xffff;
	_ =	sdelay $0x4  }
0x120: {  	v28 =	vshll.u32 v28, $0x7  }
0x121: {  	v40 =	vadd.s32 v21, v28;
	v28 =	vor.u32 v8, v30  }
0x122: {  	v36 =	vor.u32 v32, v28;
	_ =	sdelay $0x3  }
0x123: {  	[tilespmem:v40+s3+$0x0] =	vst.idx.msk $0xffff, v0  }
0x124: {  	v34 =	vld.idx.msk [tilespmem:v36+s2+$0x0], $0xffff;
	_ =	sdelay $0x4  }
0x125: {  	v34 =	vshll.u32 v34, $0x7  }
0x126: {  	v30 =	vor.u32 v9, v30;
	v34 =	vadd.s32 v23, v34  }
0x127: {  	v32 =	vor.u32 v32, v30;
	_ =	sdelay $0x3  }
0x128: {  	s8 =	sand.u32 $0x2, s30;
	[tilespmem:v34+s3+$0x0] =	vst.idx.msk $0xffff, v0  }
0x129: {  	s7 =	sadd.s32 $0x1, s7;
	s9 =	sshll.u32 s8, $0x7;
	v36 =	vld.idx.msk [tilespmem:v32+s2+$0x0], $0xffff  }
0x12a: {  	s10 =	sand.u32 $0x1E, s7;
	v42 =	vmov s9  }
0x12b: {  	v44 =	vmov s10;
	v32 =	vshrl.u32 v42, $0x7  }
0x12c: {  	v38 =	vshll.u32 v44, $0x9;
	v34 =	vshll.u32 v44, $0x7;
	v40 =	vshll.u32 v32, v58  }
0x12d: {  	v34 =	vand.u32 $0x300, v34;
	v32 =	vand.u32 $0x3000, v38;
	v40 =	vbroadcast v40, $0x0  }
0x12e: {  	v38 =	vor.u32 v32, v34;
	v36 =	vshll.u32 v36, $0x7  }
0x12f: {  	v38 =	vor.u32 v40, v38;
	v36 =	vadd.s32 v25, v36  }
0x130: {  	v38 =	vor.u32 v1, v38;
	_ =	sdelay $0x3  }
0x131: {  	[tilespmem:v36+s3+$0x0] =	vst.idx.msk $0xffff, v0  }
0x132: {  	v36 =	vld.idx.msk [tilespmem:v38+s2+$0x0], $0xffff;
	_ =	sdelay $0x4  }
0x133: {  	v42 =	vor.u32 v32, v40;
	v36 =	vshll.u32 v36, $0x7  }
0x134: {  	v38 =	vor.u32 v34, v42;
	v36 =	vor.u32 v1, v36  }
0x135: {  	v42 =	vor.u32 v3, v38;
	_ =	sdelay $0x3  }
0x136: {  	[tilespmem:v36+s3+$0x0] =	vst.idx.msk $0xffff, v2  }
0x137: {  	v36 =	vld.idx.msk [tilespmem:v42+s2+$0x0], $0xffff;
	_ =	sdelay $0x4  }
0x138: {  	v36 =	vshll.u32 v36, $0x7  }
0x139: {  	v36 =	vor.u32 v3, v36  }
0x13a: {  	v42 =	vor.u32 v4, v38;
	_ =	sdelay $0x3  }
0x13b: {  	[tilespmem:v36+s3+$0x0] =	vst.idx.msk $0xffff, v2  }
0x13c: {  	v36 =	vld.idx.msk [tilespmem:v42+s2+$0x0], $0xffff;
	_ =	sdelay $0x4  }
0x13d: {  	v36 =	vshll.u32 v36, $0x7  }
0x13e: {  	v36 =	vor.u32 v4, v36  }
0x13f: {  	v42 =	vor.u32 v5, v38;
	_ =	sdelay $0x3  }
0x140: {  	[tilespmem:v36+s3+$0x0] =	vst.idx.msk $0xffff, v2  }
0x141: {  	v36 =	vld.idx.msk [tilespmem:v42+s2+$0x0], $0xffff;
	_ =	sdelay $0x4  }
0x142: {  	v36 =	vshll.u32 v36, $0x7  }
0x143: {  	v36 =	vor.u32 v5, v36  }
0x144: {  	v42 =	vor.u32 v6, v38;
	_ =	sdelay $0x3  }
0x145: {  	[tilespmem:v36+s3+$0x0] =	vst.idx.msk $0xffff, v2  }
0x146: {  	v36 =	vld.idx.msk [tilespmem:v42+s2+$0x0], $0xffff;
	_ =	sdelay $0x4  }
0x147: {  	v36 =	vshll.u32 v36, $0x7  }
0x148: {  	v36 =	vor.u32 v6, v36  }
0x149: {  	v42 =	vor.u32 v7, v38;
	_ =	sdelay $0x3  }
0x14a: {  	[tilespmem:v36+s3+$0x0] =	vst.idx.msk $0xffff, v2  }
0x14b: {  	v36 =	vld.idx.msk [tilespmem:v42+s2+$0x0], $0xffff;
	_ =	sdelay $0x4  }
0x14c: {  	v36 =	vshll.u32 v36, $0x7  }
0x14d: {  	v36 =	vor.u32 v7, v36  }
0x14e: {  	v42 =	vor.u32 v8, v38;
	_ =	sdelay $0x3  }
0x14f: {  	[tilespmem:v36+s3+$0x0] =	vst.idx.msk $0xffff, v2  }
0x150: {  	v36 =	vld.idx.msk [tilespmem:v42+s2+$0x0], $0xffff;
	_ =	sdelay $0x4  }
0x151: {  	v36 =	vshll.u32 v36, $0x7  }
0x152: {  	v36 =	vor.u32 v8, v36  }
0x153: {  	v38 =	vor.u32 v9, v38;
	_ =	sdelay $0x3  }
0x154: {  	[tilespmem:v36+s3+$0x0] =	vst.idx.msk $0xffff, v2  }
0x155: {  	v42 =	vld.idx.msk [tilespmem:v38+s2+$0x0], $0xffff  }
0x156: {  	s10 =	sor.u32 $0x1, s7  }
0x157: {  	v36 =	vmov s10  }
0x158: {  	v44 =	vshll.u32 v36, $0x9;
	v36 =	vshll.u32 v36, $0x7  }
0x159: {  	v38 =	vand.u32 $0x3000, v44;
	v36 =	vand.u32 $0x380, v36  }
0x15a: {  	v44 =	vor.u32 v38, v36;
	v42 =	vshll.u32 v42, $0x7  }
0x15b: {  	v44 =	vor.u32 v40, v44;
	v42 =	vor.u32 v9, v42  }
0x15c: {  	v44 =	vor.u32 v1, v44;
	_ =	sdelay $0x3  }
0x15d: {  	[tilespmem:v42+s3+$0x0] =	vst.idx.msk $0xffff, v2  }
0x15e: {  	v42 =	vld.idx.msk [tilespmem:v44+s2+$0x0], $0xffff;
	_ =	sdelay $0x4  }
0x15f: {  	v40 =	vor.u32 v38, v40;
	v42 =	vshll.u32 v42, $0x7  }
0x160: {  	v40 =	vor.u32 v36, v40;
	v42 =	vadd.s32 v11, v42  }
0x161: {  	v44 =	vor.u32 v3, v40;
	_ =	sdelay $0x3  }
0x162: {  	[tilespmem:v42+s3+$0x0] =	vst.idx.msk $0xffff, v2  }
0x163: {  	v42 =	vld.idx.msk [tilespmem:v44+s2+$0x0], $0xffff;
	_ =	sdelay $0x4  }
0x164: {  	v42 =	vshll.u32 v42, $0x7  }
0x165: {  	v42 =	vadd.s32 v13, v42  }
0x166: {  	v44 =	vor.u32 v4, v40;
	_ =	sdelay $0x3  }
0x167: {  	[tilespmem:v42+s3+$0x0] =	vst.idx.msk $0xffff, v2  }
0x168: {  	v42 =	vld.idx.msk [tilespmem:v44+s2+$0x0], $0xffff;
	_ =	sdelay $0x4  }
0x169: {  	v42 =	vshll.u32 v42, $0x7  }
0x16a: {  	v42 =	vadd.s32 v15, v42  }
0x16b: {  	v44 =	vor.u32 v5, v40;
	_ =	sdelay $0x3  }
0x16c: {  	[tilespmem:v42+s3+$0x0] =	vst.idx.msk $0xffff, v2  }
0x16d: {  	v42 =	vld.idx.msk [tilespmem:v44+s2+$0x0], $0xffff;
	_ =	sdelay $0x4  }
0x16e: {  	v42 =	vshll.u32 v42, $0x7  }
0x16f: {  	v42 =	vadd.s32 v17, v42  }
0x170: {  	v44 =	vor.u32 v6, v40;
	_ =	sdelay $0x3  }
0x171: {  	[tilespmem:v42+s3+$0x0] =	vst.idx.msk $0xffff, v2  }
0x172: {  	v42 =	vld.idx.msk [tilespmem:v44+s2+$0x0], $0xffff;
	_ =	sdelay $0x4  }
0x173: {  	v42 =	vshll.u32 v42, $0x7  }
0x174: {  	v42 =	vadd.s32 v19, v42  }
0x175: {  	v44 =	vor.u32 v7, v40;
	_ =	sdelay $0x3  }
0x176: {  	[tilespmem:v42+s3+$0x0] =	vst.idx.msk $0xffff, v2  }
0x177: {  	v42 =	vld.idx.msk [tilespmem:v44+s2+$0x0], $0xffff;
	_ =	sdelay $0x4  }
0x178: {  	v42 =	vshll.u32 v42, $0x7  }
0x179: {  	v42 =	vadd.s32 v21, v42  }
0x17a: {  	v44 =	vor.u32 v8, v40;
	_ =	sdelay $0x3  }
0x17b: {  	[tilespmem:v42+s3+$0x0] =	vst.idx.msk $0xffff, v2  }
0x17c: {  	v42 =	vld.idx.msk [tilespmem:v44+s2+$0x0], $0xffff;
	_ =	sdelay $0x4  }
0x17d: {  	v42 =	vshll.u32 v42, $0x7  }
0x17e: {  	v42 =	vadd.s32 v23, v42  }
0x17f: {  	v40 =	vor.u32 v9, v40;
	_ =	sdelay $0x3  }
0x180: {  	[tilespmem:v42+s3+$0x0] =	vst.idx.msk $0xffff, v2  }
0x181: {  	v40 =	vld.idx.msk [tilespmem:v40+s2+$0x0], $0xffff;
	_ =	sdelay $0x3  }
0x182: {  	s10 =	sadd.s32 $0x80, s31  }
0x183: {  	s9 =	sand.u32 $0x180, s10;
	v40 =	vshll.u32 v40, $0x7  }
0x184: {  	s10 =	sshrl.u32 s7, $0x1;
	v42 =	vmov s9;
	v40 =	vadd.s32 v25, v40  }
0x185: {  	s9 =	smul.u32 $0x320000, s10;
	s10 =	sshll.u32 s8, $0xF;
	v42 =	vshrl.u32 v42, $0x7  }
0x186: {  	s10 =	sor.u32 s5, s10;
	v42 =	vshll.u32 v42, v58  }
0x187: {  	s10 =	sor.u32 s9, s10;
	v42 =	vbroadcast v42, $0x0  }
0x188: {  	s10 =	sshrl.u32 s10, $0x3  }
0x189: {  	s10 =	sadd.s32 s1, s10;
	v59 =	vor.u32 v42, v59;
	[tilespmem:v40+s3+$0x0] =	vst.idx.msk $0xffff, v2  }
0x18a: {  	[hbm4b:s10+s28] =	stream.strided.scatter [tilespmem:s3], [sflag:$0x1], $0x6400, s24, s28, $0x38;
	[tilespmem:$0x10800] =	vst v63  }
0x18b: {  	_ =	swait.ge [sflag:s26], $0x6400  }
0x18c: {  	[sflag:s26] =	ssyncset.done $0x0  }
0x18d: {  	[sflag:s26] =	ssyncadd.s32 $0xFFFF9C00  }
0x18e: {  	v40 =	vld.idx.msk [tilespmem:v59+s2+$0x0], $0xffff;
	_ =	sdelay $0x4  }
0x18f: {  	v40 =	vshll.u32 v40, $0x7  }
0x190: {  	v40 =	vadd.s32 v27, v40  }
0x191: {  	v60 =	vor.u32 v42, v60;
	_ =	sdelay $0x3  }
0x192: {  	[tilespmem:v40+s3+$0x0] =	vst.idx.msk $0xffff, v0  }
0x193: {  	v40 =	vld.idx.msk [tilespmem:v60+s2+$0x0], $0xffff;
	_ =	sdelay $0x4  }
0x194: {  	v40 =	vshll.u32 v40, $0x7  }
0x195: {  	v40 =	vadd.s32 v29, v40  }
0x196: {  	v61 =	vor.u32 v42, v61;
	_ =	sdelay $0x3  }
0x197: {  	[tilespmem:v40+s3+$0x0] =	vst.idx.msk $0xffff, v0  }
0x198: {  	v40 =	vld.idx.msk [tilespmem:v61+s2+$0x0], $0xffff;
	_ =	sdelay $0x4  }
0x199: {  	v40 =	vshll.u32 v40, $0x7  }
0x19a: {  	v40 =	vadd.s32 v31, v40  }
0x19b: {  	v62 =	vor.u32 v42, v62;
	_ =	sdelay $0x3  }
0x19c: {  	[tilespmem:v40+s3+$0x0] =	vst.idx.msk $0xffff, v0  }
0x19d: {  	v40 =	vld.idx.msk [tilespmem:v62+s2+$0x0], $0xffff;
	_ =	sdelay $0x4  }
0x19e: {  	v40 =	vshll.u32 v40, $0x7  }
0x19f: {  	v40 =	vadd.s32 v33, v40  }
0x1a0: {  	v63 =	vor.u32 v42, v63;
	_ =	sdelay $0x3  }
0x1a1: {  	[tilespmem:v40+s3+$0x0] =	vst.idx.msk $0xffff, v0  }
0x1a2: {  	v40 =	vld.idx.msk [tilespmem:v63+s2+$0x0], $0xffff;
	_ =	sdelay $0x4  }
0x1a3: {  	v40 =	vshll.u32 v40, $0x7  }
0x1a4: {  	v40 =	vadd.s32 v35, v40  }
0x1a5: {  	v10 =	vor.u32 v42, v10;
	_ =	sdelay $0x3  }
0x1a6: {  	[tilespmem:v40+s3+$0x0] =	vst.idx.msk $0xffff, v0  }
0x1a7: {  	v10 =	vld.idx.msk [tilespmem:v10+s2+$0x0], $0xffff;
	_ =	sdelay $0x4  }
0x1a8: {  	v10 =	vshll.u32 v10, $0x7  }
0x1a9: {  	v10 =	vadd.s32 v37, v10  }
0x1aa: {  	v12 =	vor.u32 v42, v12;
	_ =	sdelay $0x3  }
0x1ab: {  	[tilespmem:v10+s3+$0x0] =	vst.idx.msk $0xffff, v0  }
0x1ac: {  	v10 =	vld.idx.msk [tilespmem:v12+s2+$0x0], $0xffff;
	_ =	sdelay $0x4  }
0x1ad: {  	v10 =	vshll.u32 v10, $0x7  }
0x1ae: {  	v10 =	vadd.s32 v39, v10  }
0x1af: {  	v12 =	vor.u32 v42, v14;
	_ =	sdelay $0x3  }
0x1b0: {  	[tilespmem:v10+s3+$0x0] =	vst.idx.msk $0xffff, v0  }
0x1b1: {  	v10 =	vld.idx.msk [tilespmem:v12+s2+$0x0], $0xffff;
	_ =	sdelay $0x4  }
0x1b2: {  	v10 =	vshll.u32 v10, $0x7  }
0x1b3: {  	v10 =	vadd.s32 v41, v10  }
0x1b4: {  	v12 =	vor.u32 v42, v16;
	_ =	sdelay $0x3  }
0x1b5: {  	[tilespmem:v10+s3+$0x0] =	vst.idx.msk $0xffff, v0  }
0x1b6: {  	v10 =	vld.idx.msk [tilespmem:v12+s2+$0x0], $0xffff;
	_ =	sdelay $0x4  }
0x1b7: {  	v10 =	vshll.u32 v10, $0x7  }
0x1b8: {  	v10 =	vadd.s32 v43, v10  }
0x1b9: {  	v12 =	vor.u32 v42, v18;
	_ =	sdelay $0x3  }
0x1ba: {  	[tilespmem:v10+s3+$0x0] =	vst.idx.msk $0xffff, v0  }
0x1bb: {  	v10 =	vld.idx.msk [tilespmem:v12+s2+$0x0], $0xffff;
	_ =	sdelay $0x4  }
0x1bc: {  	v10 =	vshll.u32 v10, $0x7  }
0x1bd: {  	v10 =	vadd.s32 v45, v10  }
0x1be: {  	v12 =	vor.u32 v42, v20;
	_ =	sdelay $0x3  }
0x1bf: {  	[tilespmem:v10+s3+$0x0] =	vst.idx.msk $0xffff, v0  }
0x1c0: {  	v10 =	vld.idx.msk [tilespmem:v12+s2+$0x0], $0xffff;
	_ =	sdelay $0x4  }
0x1c1: {  	v10 =	vshll.u32 v10, $0x7  }
0x1c2: {  	v10 =	vadd.s32 v47, v10  }
0x1c3: {  	v12 =	vor.u32 v42, v22;
	_ =	sdelay $0x3  }
0x1c4: {  	[tilespmem:v10+s3+$0x0] =	vst.idx.msk $0xffff, v0  }
0x1c5: {  	v10 =	vld.idx.msk [tilespmem:v12+s2+$0x0], $0xffff;
	_ =	sdelay $0x4  }
0x1c6: {  	v10 =	vshll.u32 v10, $0x7  }
0x1c7: {  	v10 =	vadd.s32 v49, v10  }
0x1c8: {  	v12 =	vor.u32 v42, v24;
	_ =	sdelay $0x3  }
0x1c9: {  	[tilespmem:v10+s3+$0x0] =	vst.idx.msk $0xffff, v0  }
0x1ca: {  	v10 =	vld.idx.msk [tilespmem:v12+s2+$0x0], $0xffff;
	_ =	sdelay $0x4  }
0x1cb: {  	v10 =	vshll.u32 v10, $0x7  }
0x1cc: {  	v10 =	vadd.s32 v51, v10  }
0x1cd: {  	v12 =	vor.u32 v42, v26;
	_ =	sdelay $0x3  }
0x1ce: {  	[tilespmem:v10+s3+$0x0] =	vst.idx.msk $0xffff, v0  }
0x1cf: {  	v10 =	vld.idx.msk [tilespmem:v12+s2+$0x0], $0xffff;
	_ =	sdelay $0x4  }
0x1d0: {  	v10 =	vshll.u32 v10, $0x7  }
0x1d1: {  	v10 =	vadd.s32 v53, v10  }
0x1d2: {  	v12 =	vor.u32 v42, v28;
	_ =	sdelay $0x3  }
0x1d3: {  	[tilespmem:v10+s3+$0x0] =	vst.idx.msk $0xffff, v0  }
0x1d4: {  	v10 =	vld.idx.msk [tilespmem:v12+s2+$0x0], $0xffff;
	_ =	sdelay $0x4  }
0x1d5: {  	v10 =	vshll.u32 v10, $0x7  }
0x1d6: {  	v10 =	vadd.s32 v55, v10  }
0x1d7: {  	v12 =	vor.u32 v42, v30;
	_ =	sdelay $0x2  }
0x1d8: {  	s8 =	sor.u32 $0x1, s8  }
0x1d9: {  	s10 =	sshll.u32 s8, $0x7;
	[tilespmem:v10+s3+$0x0] =	vst.idx.msk $0xffff, v0  }
0x1da: {  	v10 =	vld.idx.msk [tilespmem:v12+s2+$0x0], $0xffff;
	v12 =	vmov s10  }
0x1db: {  	v12 =	vshrl.u32 v12, $0x7  }
0x1dc: {  	v12 =	vshll.u32 v12, v58  }
0x1dd: {  	v12 =	vbroadcast v12, $0x0;
	_ =	sdelay $0x1  }
0x1de: {  	v10 =	vshll.u32 v10, $0x7;
	v14 =	vadd.s32 v32, v12  }
0x1df: {  	v10 =	vadd.s32 v57, v10;
	v14 =	vor.u32 v34, v14  }
0x1e0: {  	v16 =	vor.u32 v1, v14;
	_ =	sdelay $0x3  }
0x1e1: {  	[tilespmem:v10+s3+$0x0] =	vst.idx.msk $0xffff, v0  }
0x1e2: {  	v10 =	vld.idx.msk [tilespmem:v16+s2+$0x0], $0xffff;
	_ =	sdelay $0x4  }
0x1e3: {  	v10 =	vshll.u32 v10, $0x7  }
0x1e4: {  	v10 =	vadd.s32 v27, v10  }
0x1e5: {  	v16 =	vor.u32 v3, v14;
	_ =	sdelay $0x3  }
0x1e6: {  	[tilespmem:v10+s3+$0x0] =	vst.idx.msk $0xffff, v2  }
0x1e7: {  	v10 =	vld.idx.msk [tilespmem:v16+s2+$0x0], $0xffff;
	_ =	sdelay $0x4  }
0x1e8: {  	v10 =	vshll.u32 v10, $0x7  }
0x1e9: {  	v10 =	vadd.s32 v29, v10  }
0x1ea: {  	v16 =	vor.u32 v4, v14;
	_ =	sdelay $0x3  }
0x1eb: {  	[tilespmem:v10+s3+$0x0] =	vst.idx.msk $0xffff, v2  }
0x1ec: {  	v10 =	vld.idx.msk [tilespmem:v16+s2+$0x0], $0xffff;
	_ =	sdelay $0x4  }
0x1ed: {  	v10 =	vshll.u32 v10, $0x7  }
0x1ee: {  	v10 =	vadd.s32 v31, v10  }
0x1ef: {  	v16 =	vor.u32 v5, v14;
	_ =	sdelay $0x3  }
0x1f0: {  	[tilespmem:v10+s3+$0x0] =	vst.idx.msk $0xffff, v2  }
0x1f1: {  	v10 =	vld.idx.msk [tilespmem:v16+s2+$0x0], $0xffff;
	_ =	sdelay $0x4  }
0x1f2: {  	v10 =	vshll.u32 v10, $0x7  }
0x1f3: {  	v10 =	vadd.s32 v33, v10  }
0x1f4: {  	v16 =	vor.u32 v6, v14;
	_ =	sdelay $0x3  }
0x1f5: {  	[tilespmem:v10+s3+$0x0] =	vst.idx.msk $0xffff, v2  }
0x1f6: {  	v10 =	vld.idx.msk [tilespmem:v16+s2+$0x0], $0xffff;
	_ =	sdelay $0x4  }
0x1f7: {  	v10 =	vshll.u32 v10, $0x7  }
0x1f8: {  	v10 =	vadd.s32 v35, v10  }
0x1f9: {  	v16 =	vor.u32 v7, v14;
	_ =	sdelay $0x3  }
0x1fa: {  	[tilespmem:v10+s3+$0x0] =	vst.idx.msk $0xffff, v2  }
0x1fb: {  	v10 =	vld.idx.msk [tilespmem:v16+s2+$0x0], $0xffff;
	_ =	sdelay $0x4  }
0x1fc: {  	v10 =	vshll.u32 v10, $0x7  }
0x1fd: {  	v10 =	vadd.s32 v37, v10  }
0x1fe: {  	v16 =	vor.u32 v8, v14;
	_ =	sdelay $0x3  }
0x1ff: {  	[tilespmem:v10+s3+$0x0] =	vst.idx.msk $0xffff, v2  }
0x200: {  	v10 =	vld.idx.msk [tilespmem:v16+s2+$0x0], $0xffff;
	_ =	sdelay $0x4  }
0x201: {  	v10 =	vshll.u32 v10, $0x7  }
0x202: {  	v10 =	vadd.s32 v39, v10  }
0x203: {  	v14 =	vor.u32 v9, v14;
	_ =	sdelay $0x3  }
0x204: {  	[tilespmem:v10+s3+$0x0] =	vst.idx.msk $0xffff, v2  }
0x205: {  	v10 =	vld.idx.msk [tilespmem:v14+s2+$0x0], $0xffff;
	_ =	sdelay $0x4  }
0x206: {  	v12 =	vadd.s32 v38, v12;
	v10 =	vshll.u32 v10, $0x7  }
0x207: {  	v12 =	vor.u32 v36, v12;
	v10 =	vadd.s32 v41, v10  }
0x208: {  	v14 =	vor.u32 v1, v12;
	_ =	sdelay $0x3  }
0x209: {  	[tilespmem:v10+s3+$0x0] =	vst.idx.msk $0xffff, v2  }
0x20a: {  	v10 =	vld.idx.msk [tilespmem:v14+s2+$0x0], $0xffff;
	_ =	sdelay $0x4  }
0x20b: {  	v10 =	vshll.u32 v10, $0x7  }
0x20c: {  	v10 =	vadd.s32 v43, v10  }
0x20d: {  	v14 =	vor.u32 v3, v12;
	_ =	sdelay $0x3  }
0x20e: {  	[tilespmem:v10+s3+$0x0] =	vst.idx.msk $0xffff, v2  }
0x20f: {  	v10 =	vld.idx.msk [tilespmem:v14+s2+$0x0], $0xffff;
	_ =	sdelay $0x4  }
0x210: {  	v10 =	vshll.u32 v10, $0x7  }
0x211: {  	v10 =	vadd.s32 v45, v10  }
0x212: {  	v14 =	vor.u32 v4, v12;
	_ =	sdelay $0x3  }
0x213: {  	[tilespmem:v10+s3+$0x0] =	vst.idx.msk $0xffff, v2  }
0x214: {  	v10 =	vld.idx.msk [tilespmem:v14+s2+$0x0], $0xffff;
	_ =	sdelay $0x4  }
0x215: {  	v10 =	vshll.u32 v10, $0x7  }
0x216: {  	v10 =	vadd.s32 v47, v10  }
0x217: {  	v14 =	vor.u32 v5, v12;
	_ =	sdelay $0x3  }
0x218: {  	[tilespmem:v10+s3+$0x0] =	vst.idx.msk $0xffff, v2  }
0x219: {  	v10 =	vld.idx.msk [tilespmem:v14+s2+$0x0], $0xffff;
	_ =	sdelay $0x4  }
0x21a: {  	v10 =	vshll.u32 v10, $0x7  }
0x21b: {  	v10 =	vadd.s32 v49, v10  }
0x21c: {  	v14 =	vor.u32 v6, v12;
	_ =	sdelay $0x3  }
0x21d: {  	[tilespmem:v10+s3+$0x0] =	vst.idx.msk $0xffff, v2  }
0x21e: {  	v10 =	vld.idx.msk [tilespmem:v14+s2+$0x0], $0xffff;
	_ =	sdelay $0x4  }
0x21f: {  	v10 =	vshll.u32 v10, $0x7  }
0x220: {  	v10 =	vadd.s32 v51, v10  }
0x221: {  	v14 =	vor.u32 v7, v12;
	_ =	sdelay $0x3  }
0x222: {  	[tilespmem:v10+s3+$0x0] =	vst.idx.msk $0xffff, v2  }
0x223: {  	v10 =	vld.idx.msk [tilespmem:v14+s2+$0x0], $0xffff;
	_ =	sdelay $0x4  }
0x224: {  	v10 =	vshll.u32 v10, $0x7  }
0x225: {  	v10 =	vadd.s32 v53, v10  }
0x226: {  	v14 =	vor.u32 v8, v12;
	_ =	sdelay $0x3  }
0x227: {  	[tilespmem:v10+s3+$0x0] =	vst.idx.msk $0xffff, v2  }
0x228: {  	v10 =	vld.idx.msk [tilespmem:v14+s2+$0x0], $0xffff;
	_ =	sdelay $0x4  }
0x229: {  	v10 =	vshll.u32 v10, $0x7  }
0x22a: {  	v10 =	vadd.s32 v55, v10  }
0x22b: {  	v12 =	vor.u32 v9, v12;
	_ =	sdelay $0x3  }
0x22c: {  	[tilespmem:v10+s3+$0x0] =	vst.idx.msk $0xffff, v2  }
0x22d: {  	v10 =	vld.idx.msk [tilespmem:v12+s2+$0x0], $0xffff;
	_ =	sdelay $0x4  }
0x22e: {  	v10 =	vshll.u32 v10, $0x7  }
0x22f: {  	v10 =	vadd.s32 v57, v10  }
0x230: {  	p0 =	sne.s32 s30, $0x32;
	s8 =	sshll.u32 s8, $0xF  }
.Ltmp2:
0x231: {  	s8 =	sor.u32 s5, s8;
	(pc) =	sbr.rel @p0 .LBB2_6-.Ltmp2, $4  }
0x232: {  	s8 =	sor.u32 s9, s8  }
0x233: {  	s8 =	sshrl.u32 s8, $0x3  }
0x234: {  	s30 =	sadd.s32 $0x2, s30;
	s31 =	sadd.s32 $0x100, s31;
	s8 =	sadd.s32 s1, s8;
	[tilespmem:v10+s3+$0x0] =	vst.idx.msk $0xffff, v2  }
0x235: {  	[hbm4b:s8+s28] =	stream.strided.scatter [tilespmem:s25], [sflag:$0x2], $0x6400, s24, s28, $0x38;
	[tilespmem:$0x10800] =	vst v63  }
0x236: {  	s29 =	sadd.s32 $0x1, s29  }
0x237: {  	_ =	swait.ge [sflag:s0], $0x6400;
	p0 =	sne.s32 s29, s11  }
.Ltmp3:
0x238: {  	[sflag:s0] =	ssyncset.done $0x0;
	(pc) =	sbr.rel @p0 .LBB2_1-.Ltmp3, $4  }
0x239: {  	[sflag:s0] =	ssyncadd.s32 $0xFFFF9C00  }
0x23a: {  	_ =	swait.ge [sflag:s26], $0x6400  }
0x23b: {  	[sflag:s26] =	ssyncset.done $0x0  }
0x23c: {  	[sflag:s26] =	ssyncadd.s32 $0xFFFF9C00  }
0x23d: {  	_ =	sfence.sel $0x180000  }
0x23e: {  	[bflag:$0x0] =	sbarrier.arrive $0xFFFF  }
0x23f: {  	_ =	strace $0x90000047  }
0x240: {  	s0 =	stileid.u32;
	[bflag:$0x2] =	sbarrier.arrive $0xFFFF  }
0x241: {  	p0 =	sne.s32 s0, $0x0;
	s0 =	rddreg [dreg:$0x2]  }
0x242: {  	s0 =	sadd.s32 @!p0 $0x100000, s0  }
0x243: {  	[sflag:s0] =	ssyncadd.tile.s32 @!p0 $0x1;
	_ =	shalt  }
.Lfunc_end2:
_tile_overlayer_lowered:
.L_overlay_start_2:
0x244: {  	(tag) =	ssettag $0x2  }
0x245: {  	s0 =	rddreg [dreg:$0x0];
	s2 =	stileid.u32  }
0x246: {  	s1 =	rddreg [dreg:$0x1];
	p0 =	sne.s32 s2, $0x0  }
0x247: {  	s3 =	rddreg [dreg:$0x2];
	[bflag:$0x3] =	sbarrier.arrive $0xFFFF;
	s2 =	simm.s32 @!p0 $0x1C03  }
0x248: {  	[timem:s3], [sflag:s2] =	dma.local @!p0 [hbm:s0], s1  }
0x249: {  	s0 =	simm.s32 @!p0 $0x3  }
0x24a: {  	_ =	swait.ge @!p0 [sflag:s0], s1  }
0x24b: {  	s1 =	ssub.s32 @!p0 $0x0, s1;
	[sflag:s0] =	ssyncset.done @!p0 $0x0  }
0x24c: {  	[sflag:s0] =	ssyncadd.s32 @!p0 s1  }
0x24d: {  	[bflag:$0x3] =	sbarrier.arrive $0xFFFF  }
0x24e: {  	_ =	shalt  }

</sc_bundles>
